<compile_context>
chip_gen: v7x
topology: tpu7x:2x2x1
jax: 0.10.2.dev20260603
libtpu: 0.0.44.dev20260713+nightly
codegen_flags: <defaults>
</compile_context>

<pallas_src>
import functools
import jax
import jax.numpy as jnp
from jax import lax
from jax.experimental import pallas as pl
from jax.experimental.pallas import tpu as pltpu
from jax.experimental.pallas import tpu_sc as plsc

NUM_SEGMENTS = 16
D_MODEL = 4096

_info = plsc.get_sparse_core_info()
_NC, _NS = _info.num_cores, _info.num_subcores
_NW = _NC * _NS
_L = 16

_B = 4 * 8192
_BPW = _B // _NW
_CH = 4
_NCHK = _BPW // _CH
_ROW = D_MODEL
_CHW = _CH * _ROW
_KU = 8


def _body(ids_hbm, table_hbm, out_hbm, idx_v, tab_v, buf_v, sem0, sem1):
    wid = lax.axis_index("s") * _NC + lax.axis_index("c")
    base = wid * _BPW * _ROW
    pltpu.sync_copy(ids_hbm.at[wid], idx_v)
    pltpu.sync_copy(table_hbm, tab_v)
    lanes = lax.iota(jnp.int32, _L)

    def assemble(j, p):
        grp = idx_v[pl.ds((j // 4) * _L, _L)]
        for q in range(_CH):
            lane = (j % 4) * _CH + q
            s = jnp.sum(jnp.where(lanes == lane, grp, 0))
            src0 = s * _ROW
            dst0 = p * _CHW + q * _ROW

            def cp(k, carry):
                for u in range(_KU):
                    o = (k * _KU + u) * _L
                    buf_v[pl.ds(dst0 + o, _L)] = tab_v[pl.ds(src0 + o, _L)]
                return carry

            lax.fori_loop(0, _ROW // (_KU * _L), cp, 0)

    def copy_out(j, p, sem):
        return pltpu.make_async_copy(
            buf_v.at[pl.ds(p * _CHW, _CHW)],
            out_hbm.at[pl.ds(base + j * _CHW, _CHW)],
            sem,
        )

    def step(j, carry):
        p = lax.rem(j, 2)
        @pl.when((j >= 2) & (p == 0))
        def _():
            copy_out(j - 2, 0, sem0).wait()
        @pl.when((j >= 2) & (p == 1))
        def _():
            copy_out(j - 2, 1, sem1).wait()
        assemble(j, p)
        @pl.when(p == 0)
        def _():
            copy_out(j, 0, sem0).start()
        @pl.when(p == 1)
        def _():
            copy_out(j, 1, sem1).start()
        return carry

    lax.fori_loop(0, _NCHK, step, 0)
    copy_out(_NCHK - 2, 0, sem0).wait()
    copy_out(_NCHK - 1, 1, sem1).wait()


def kernel(segment_ids, table):
    ids = segment_ids.reshape(_NW, _BPW).astype(jnp.int32)
    run = functools.partial(
        pl.kernel,
        mesh=plsc.VectorSubcoreMesh(core_axis_name="c", subcore_axis_name="s"),
        out_type=jax.ShapeDtypeStruct((_B * _ROW,), jnp.float32),
        compiler_params=pltpu.CompilerParams(needs_layout_passes=False),
        scratch_types=[
            pltpu.VMEM((_BPW,), jnp.int32),
            pltpu.VMEM((NUM_SEGMENTS * _ROW,), jnp.float32),
            pltpu.VMEM((2 * _CHW,), jnp.float32),
            pltpu.SemaphoreType.DMA,
            pltpu.SemaphoreType.DMA,
        ],
    )(_body)
    out = run(ids, table.reshape(-1))
    return out.reshape(segment_ids.shape[0], segment_ids.shape[1], D_MODEL)

# --- scband reference (transcript-rebuilt; emitter-appended) ---
"""Pipeline reference for scband-segment-embedding-18494129176839 (READ-ONLY COPY).

The authoritative reference and input builder live on the scoring server;
editing this copy changes nothing except your own understanding.
"""

import jax, jax.numpy as jnp
import numpy as np

NUM_SEGMENTS = 16
D_MODEL = 4096

def setup_inputs(seed: int = 0) -> dict:
    key = jax.random.key(seed)
    k1, k2 = jax.random.split(key)
    segment_ids = jax.random.randint(k1, (4, 8192), 0, NUM_SEGMENTS, dtype=jnp.int64 if jax.config.jax_enable_x64 else jnp.int32)
    table = jax.random.normal(k2, (NUM_SEGMENTS, D_MODEL), dtype=jnp.float32) * 0.02
    return {"segment_ids": segment_ids, "table": table}

def reference(segment_ids, table):
    # nn.Embedding lookup: gather rows of the table by segment_ids
    return jnp.take(table, segment_ids, axis=0)

if __name__ == "__main__":
    import jax
    _d = setup_inputs()
    print(jax.jit(kernel)(*tuple(_d.values())))

</pallas_src>

<mosaic_0001>
#map = affine_map<(d0, d1) -> (0, 0)>
#map1 = affine_map<(d0, d1) -> (0)>
module attributes {stable_mosaic.version = 14 : i64} {
  func.func @_body(%arg0: i32, %arg1: i32, %arg2: memref<32x1024xi32, #tpu.memory_space<hbm>>, %arg3: memref<65536xf32, #tpu.memory_space<hbm>>, %arg4: memref<134217728xf32, #tpu.memory_space<hbm>>, %arg5: memref<1024xi32, #tpu.memory_space<vmem>>, %arg6: memref<65536xf32, #tpu.memory_space<vmem>>, %arg7: memref<32768xf32, #tpu.memory_space<vmem>>, %arg8: memref<!tpu.dma_semaphore, #tpu.memory_space<semaphore_mem>>, %arg9: memref<!tpu.dma_semaphore, #tpu.memory_space<semaphore_mem>>) attributes {dimension_semantics = [#tpu.dimension_semantics<core_parallel>, #tpu.dimension_semantics<subcore_parallel>], iteration_bounds = array<i64: 2, 16>, scalar_prefetch = 0 : i64, scratch_operands = 5 : i64, tpu.core_type = #tpu.core_type<sc_vector_subcore>, window_params = [{transform_indices = #map}, {transform_indices = #map1}, {transform_indices = #map1}]} {
    %mul3A = arith.constant 2 : i32
    %mul3A_0 = arith.muli %arg1, %mul3A : i32
    %add3A = arith.addi %mul3A_0, %arg0 : i32
    %mul3A_1 = arith.constant 1024 : i32
    %mul3A_2 = arith.muli %add3A, %mul3A_1 : i32
    %mul3A_3 = arith.constant 4096 : i32
    %mul3A_4 = arith.muli %mul3A_2, %mul3A_3 : i32
    "tpu.region"() ({
      %run_scoped3A = tpu.sem_alloc : memref<!tpu.dma_semaphore, #tpu.memory_space<semaphore_mem>>
      %dma_start3A = arith.constant 0 : i32
      %dma_start3A_25 = tpu.memref_slice %arg2[%add3A, %dma_start3A] : memref<32x1024xi32, #tpu.memory_space<hbm>> -> memref<1x1024xi32, #tpu.memory_space<hbm>>
      %dma_start3A_26 = tpu.memref_squeeze %dma_start3A_25 : memref<1x1024xi32, #tpu.memory_space<hbm>> -> memref<1024xi32, #tpu.memory_space<hbm>>
      %dma_start3A_27 = arith.constant 0 : i32
      %dma_start3A_28 = tpu.memref_slice %arg2[%add3A, %dma_start3A_27] : memref<32x1024xi32, #tpu.memory_space<hbm>> -> memref<1x1024xi32, #tpu.memory_space<hbm>>
      %dma_start3A_29 = tpu.memref_squeeze %dma_start3A_28 : memref<1x1024xi32, #tpu.memory_space<hbm>> -> memref<1024xi32, #tpu.memory_space<hbm>>
      tpu.enqueue_dma source(%dma_start3A_29 : memref<1024xi32, #tpu.memory_space<hbm>>) target(%arg5 : memref<1024xi32, #tpu.memory_space<vmem>>) target_semaphore(%run_scoped3A : memref<!tpu.dma_semaphore, #tpu.memory_space<semaphore_mem>>)
      %dma_wait3A_30 = arith.constant 0 : i32
      %dma_wait3A_31 = tpu.memref_slice %arg2[%add3A, %dma_wait3A_30] : memref<32x1024xi32, #tpu.memory_space<hbm>> -> memref<1x1024xi32, #tpu.memory_space<hbm>>
      %dma_wait3A_32 = tpu.memref_squeeze %dma_wait3A_31 : memref<1x1024xi32, #tpu.memory_space<hbm>> -> memref<1024xi32, #tpu.memory_space<hbm>>
      %dma_wait3A_33 = arith.constant 0 : i32
      %dma_wait3A_34 = tpu.memref_slice %arg2[%add3A, %dma_wait3A_33] : memref<32x1024xi32, #tpu.memory_space<hbm>> -> memref<1x1024xi32, #tpu.memory_space<hbm>>
      %dma_wait3A_35 = tpu.memref_squeeze %dma_wait3A_34 : memref<1x1024xi32, #tpu.memory_space<hbm>> -> memref<1024xi32, #tpu.memory_space<hbm>>
      tpu.wait_dma2 semaphore(%run_scoped3A : memref<!tpu.dma_semaphore, #tpu.memory_space<semaphore_mem>>) src(%dma_wait3A_35 : memref<1024xi32, #tpu.memory_space<hbm>>) dst(%arg5 : memref<1024xi32, #tpu.memory_space<vmem>>)
      tpu.yield
    }) : () -> ()
    "tpu.region"() ({
      %run_scoped3A = tpu.sem_alloc : memref<!tpu.dma_semaphore, #tpu.memory_space<semaphore_mem>>
      tpu.enqueue_dma source(%arg3 : memref<65536xf32, #tpu.memory_space<hbm>>) target(%arg6 : memref<65536xf32, #tpu.memory_space<vmem>>) target_semaphore(%run_scoped3A : memref<!tpu.dma_semaphore, #tpu.memory_space<semaphore_mem>>)
      tpu.wait_dma2 semaphore(%run_scoped3A : memref<!tpu.dma_semaphore, #tpu.memory_space<semaphore_mem>>) src(%arg3 : memref<65536xf32, #tpu.memory_space<hbm>>) dst(%arg6 : memref<65536xf32, #tpu.memory_space<vmem>>)
      tpu.yield
    }) : () -> ()
    %iota3A = tpu.iota {dimensions = array<i32: 0>} : vector<16xi32>
    %scan3A = arith.constant 0 : i32
    %scan3A_5 = arith.constant 0 : i32
    %scan3A_6 = arith.constant 256 : i32
    %scan3A_7 = arith.addi %scan3A_5, %scan3A_6 : i32
    %scan3A_8 = arith.constant 1 : i32
    scf.for %scan3A_25 = %scan3A_5 to %scan3A_7 step %scan3A_8  : i32 {
      %rem3A = arith.constant 2 : i32
      %rem3A_26 = arith.remsi %scan3A_25, %rem3A : i32
      %ge3A = arith.constant 2 : i32
      %ge3A_27 = arith.cmpi sge, %scan3A_25, %ge3A : i32
      %eq3A = arith.constant 0 : i32
      %eq3A_28 = arith.cmpi eq, %rem3A_26, %eq3A : i32
      %and3A = arith.andi %ge3A_27, %eq3A_28 : i1
      %convert_element_type3A = arith.extui %and3A : i1 to i32
      %cond3A = arith.constant 0 : i32
      %cond3A_29 = arith.cmpi ne, %convert_element_type3A, %cond3A : i32
      scf.if %cond3A_29 {
        %sub3A_230 = arith.constant 2 : i32
        %sub3A_231 = arith.subi %scan3A_25, %sub3A_230 : i32
        %mul3A_232 = arith.constant 16384 : i32
        %mul3A_233 = arith.muli %sub3A_231, %mul3A_232 : i32
        %add3A_234 = arith.addi %mul3A_4, %mul3A_233 : i32
        %dma_wait3A_235 = arith.constant 0 : i32
        %dma_wait3A_236 = tpu.memref_slice %arg7[%dma_wait3A_235] : memref<32768xf32, #tpu.memory_space<vmem>> -> memref<16384xf32, #tpu.memory_space<vmem>>
        %dma_wait3A_237 = tpu.memref_slice %arg4[%add3A_234] : memref<134217728xf32, #tpu.memory_space<hbm>> -> memref<16384xf32, #tpu.memory_space<hbm>>
        %dma_wait3A_238 = tpu.memref_slice %arg4[%add3A_234] : memref<134217728xf32, #tpu.memory_space<hbm>> -> memref<16384xf32, #tpu.memory_space<hbm>>
        %dma_wait3A_239 = arith.constant 0 : i32
        %dma_wait3A_240 = tpu.memref_slice %arg7[%dma_wait3A_239] : memref<32768xf32, #tpu.memory_space<vmem>> -> memref<16384xf32, #tpu.memory_space<vmem>>
        tpu.wait_dma2 semaphore(%arg8 : memref<!tpu.dma_semaphore, #tpu.memory_space<semaphore_mem>>) src(%dma_wait3A_240 : memref<16384xf32, #tpu.memory_space<vmem>>) dst(%dma_wait3A_238 : memref<16384xf32, #tpu.memory_space<hbm>>)
      } else {
      }
      %ge3A_30 = arith.constant 2 : i32
      %ge3A_31 = arith.cmpi sge, %scan3A_25, %ge3A_30 : i32
      %eq3A_32 = arith.constant 1 : i32
      %eq3A_33 = arith.cmpi eq, %rem3A_26, %eq3A_32 : i32
      %and3A_34 = arith.andi %ge3A_31, %eq3A_33 : i1
      %convert_element_type3A_35 = arith.extui %and3A_34 : i1 to i32
      %cond3A_36 = arith.constant 0 : i32
      %cond3A_37 = arith.cmpi ne, %convert_element_type3A_35, %cond3A_36 : i32
      scf.if %cond3A_37 {
        %sub3A_230 = arith.constant 2 : i32
        %sub3A_231 = arith.subi %scan3A_25, %sub3A_230 : i32
        %mul3A_232 = arith.constant 16384 : i32
        %mul3A_233 = arith.muli %sub3A_231, %mul3A_232 : i32
        %add3A_234 = arith.addi %mul3A_4, %mul3A_233 : i32
        %dma_wait3A_235 = arith.constant 16384 : i32
        %dma_wait3A_236 = tpu.memref_slice %arg7[%dma_wait3A_235] : memref<32768xf32, #tpu.memory_space<vmem>> -> memref<16384xf32, #tpu.memory_space<vmem>>
        %dma_wait3A_237 = tpu.memref_slice %arg4[%add3A_234] : memref<134217728xf32, #tpu.memory_space<hbm>> -> memref<16384xf32, #tpu.memory_space<hbm>>
        %dma_wait3A_238 = tpu.memref_slice %arg4[%add3A_234] : memref<134217728xf32, #tpu.memory_space<hbm>> -> memref<16384xf32, #tpu.memory_space<hbm>>
        %dma_wait3A_239 = arith.constant 16384 : i32
        %dma_wait3A_240 = tpu.memref_slice %arg7[%dma_wait3A_239] : memref<32768xf32, #tpu.memory_space<vmem>> -> memref<16384xf32, #tpu.memory_space<vmem>>
        tpu.wait_dma2 semaphore(%arg9 : memref<!tpu.dma_semaphore, #tpu.memory_space<semaphore_mem>>) src(%dma_wait3A_240 : memref<16384xf32, #tpu.memory_space<vmem>>) dst(%dma_wait3A_238 : memref<16384xf32, #tpu.memory_space<hbm>>)
      } else {
      }
      %jit3A = arith.constant 4 : i32
      %div3A = arith.divsi %scan3A_25, %jit3A : i32
      %sign3A = arith.constant 0 : i32
      %sign3A_38 = arith.cmpi sgt, %scan3A_25, %sign3A : i32
      %sign3A_39 = arith.extui %sign3A_38 : i1 to i32
      %sign3A_40 = arith.constant 0 : i32
      %sign3A_41 = arith.cmpi slt, %scan3A_25, %sign3A_40 : i32
      %sign3A_42 = arith.extui %sign3A_41 : i1 to i32
      %sign3A_43 = arith.subi %sign3A_39, %sign3A_42 : i32
      %sign3A_44 = arith.constant 0 : i32
      %sign3A_45 = arith.cmpi sgt, %jit3A, %sign3A_44 : i32
      %sign3A_46 = arith.extui %sign3A_45 : i1 to i32
      %sign3A_47 = arith.constant 0 : i32
      %sign3A_48 = arith.cmpi slt, %jit3A, %sign3A_47 : i32
      %sign3A_49 = arith.extui %sign3A_48 : i1 to i32
      %sign3A_50 = arith.subi %sign3A_46, %sign3A_49 : i32
      %ne3A = arith.cmpi ne, %sign3A_43, %sign3A_50 : i32
      %rem3A_51 = arith.remsi %scan3A_25, %jit3A : i32
      %ne3A_52 = arith.constant 0 : i32
      %ne3A_53 = arith.cmpi ne, %rem3A_51, %ne3A_52 : i32
      %and3A_54 = arith.andi %ne3A, %ne3A_53 : i1
      %sub3A = arith.constant 1 : i32
      %sub3A_55 = arith.subi %div3A, %sub3A : i32
      %select_n3A = arith.select %and3A_54, %sub3A_55, %div3A : i32
      %mul3A_56 = arith.constant 16 : i32
      %mul3A_57 = arith.muli %select_n3A, %mul3A_56 : i32
      %get3A = arith.index_cast %mul3A_57 : i32 to index
      %get3A_58 = tpu.vector_load %arg5[%get3A] {strides = array<i32>} : memref<1024xi32, #tpu.memory_space<vmem>>, vector<16xi32>,
      %jit3A_59 = arith.constant 4 : i32
      %eq3A_60 = arith.constant 0 : i32
      %eq3A_61 = arith.cmpi eq, %jit3A_59, %eq3A_60 : i32
      %jit3A_62 = arith.constant 1 : i32
      %select_n3A_63 = arith.select %eq3A_61, %jit3A_62, %jit3A_59 : i32
      %rem3A_64 = arith.remsi %scan3A_25, %select_n3A_63 : i32
      %ne3A_65 = arith.constant 0 : i32
      %ne3A_66 = arith.cmpi ne, %rem3A_64, %ne3A_65 : i32
      %lt3A = arith.constant 0 : i32
      %lt3A_67 = arith.cmpi slt, %rem3A_64, %lt3A : i32
      %lt3A_68 = arith.constant 0 : i32
      %lt3A_69 = arith.cmpi slt, %select_n3A_63, %lt3A_68 : i32
      %ne3A_70 = arith.xori %lt3A_67, %lt3A_69 : i1
      %and3A_71 = arith.andi %ne3A_70, %ne3A_66 : i1
      %add3A_72 = arith.addi %rem3A_64, %select_n3A_63 : i32
      %select_n3A_73 = arith.select %and3A_71, %add3A_72, %rem3A_64 : i32
      %mul3A_74 = arith.constant 4 : i32
      %mul3A_75 = arith.muli %select_n3A_73, %mul3A_74 : i32
      %add3A_76 = arith.constant 0 : i32
      %add3A_77 = arith.addi %mul3A_75, %add3A_76 : i32
      %eq3A_78 = vector.broadcast %add3A_77 : i32 to vector<16xi32>
      %eq3A_79 = arith.cmpi eq, %iota3A, %eq3A_78 : vector<16xi32>
      %jit3A_80 = arith.constant 0 : i32
      %broadcast_in_dim3A = vector.broadcast %jit3A_80 : i32 to vector<16xi32>
      %select_n3A_81 = arith.select %eq3A_79, %get3A_58, %broadcast_in_dim3A : vector<16xi1>, vector<16xi32>
      %reduce_sum3A = arith.constant true
      %reduce_sum3A_82 = vector.broadcast %reduce_sum3A : i1 to vector<16xi1>
      %reduce_sum3A_83 = tpu.scan <sum>, %select_n3A_81 masked %reduce_sum3A_82 : vector<16xi32>, vector<16xi1> -> vector<16xi32>
      %reduce_sum3A_84 = vector.extract %reduce_sum3A_83[15] : i32 from vector<16xi32>
      %mul3A_85 = arith.constant 4096 : i32
      %mul3A_86 = arith.muli %reduce_sum3A_84, %mul3A_85 : i32
      %mul3A_87 = arith.constant 16384 : i32
      %mul3A_88 = arith.muli %rem3A_26, %mul3A_87 : i32
      %add3A_89 = arith.constant 0 : i32
      %add3A_90 = arith.addi %mul3A_88, %add3A_89 : i32
      %scan3A_91 = arith.constant 0 : i32
      %scan3A_92 = arith.constant 0 : i32
      %scan3A_93 = arith.constant 32 : i32
      %scan3A_94 = arith.addi %scan3A_92, %scan3A_93 : i32
      %scan3A_95 = arith.constant 1 : i32
      scf.for %scan3A_230 = %scan3A_92 to %scan3A_94 step %scan3A_95  : i32 {
        %mul3A_231 = arith.constant 8 : i32
        %mul3A_232 = arith.muli %scan3A_230, %mul3A_231 : i32
        %add3A_233 = arith.constant 0 : i32
        %add3A_234 = arith.addi %mul3A_232, %add3A_233 : i32
        %mul3A_235 = arith.constant 16 : i32
        %mul3A_236 = arith.muli %add3A_234, %mul3A_235 : i32
        %add3A_237 = arith.addi %mul3A_86, %mul3A_236 : i32
        %get3A_238 = arith.index_cast %add3A_237 : i32 to index
        %get3A_239 = tpu.vector_load %arg6[%get3A_238] {strides = array<i32>} : memref<65536xf32, #tpu.memory_space<vmem>>, vector<16xf32>,
        %add3A_240 = arith.addi %add3A_90, %mul3A_236 : i32
        %swap3A = arith.index_cast %add3A_240 : i32 to index
        %swap3A_241 = tpu.vector_load %arg7[%swap3A] {strides = array<i32>} : memref<32768xf32, #tpu.memory_space<vmem>>, vector<16xf32>,
        tpu.vector_store %arg7[%swap3A], %get3A_239 {strides = array<i32>} : memref<32768xf32, #tpu.memory_space<vmem>>, vector<16xf32>,
        %mul3A_242 = arith.constant 8 : i32
        %mul3A_243 = arith.muli %scan3A_230, %mul3A_242 : i32
        %add3A_244 = arith.constant 1 : i32
        %add3A_245 = arith.addi %mul3A_243, %add3A_244 : i32
        %mul3A_246 = arith.constant 16 : i32
        %mul3A_247 = arith.muli %add3A_245, %mul3A_246 : i32
        %add3A_248 = arith.addi %mul3A_86, %mul3A_247 : i32
        %get3A_249 = arith.index_cast %add3A_248 : i32 to index
        %get3A_250 = tpu.vector_load %arg6[%get3A_249] {strides = array<i32>} : memref<65536xf32, #tpu.memory_space<vmem>>, vector<16xf32>,
        %add3A_251 = arith.addi %add3A_90, %mul3A_247 : i32
        %swap3A_252 = arith.index_cast %add3A_251 : i32 to index
        %swap3A_253 = tpu.vector_load %arg7[%swap3A_252] {strides = array<i32>} : memref<32768xf32, #tpu.memory_space<vmem>>, vector<16xf32>,
        tpu.vector_store %arg7[%swap3A_252], %get3A_250 {strides = array<i32>} : memref<32768xf32, #tpu.memory_space<vmem>>, vector<16xf32>,
        %mul3A_254 = arith.constant 8 : i32
        %mul3A_255 = arith.muli %scan3A_230, %mul3A_254 : i32
        %add3A_256 = arith.constant 2 : i32
        %add3A_257 = arith.addi %mul3A_255, %add3A_256 : i32
        %mul3A_258 = arith.constant 16 : i32
        %mul3A_259 = arith.muli %add3A_257, %mul3A_258 : i32
        %add3A_260 = arith.addi %mul3A_86, %mul3A_259 : i32
        %get3A_261 = arith.index_cast %add3A_260 : i32 to index
        %get3A_262 = tpu.vector_load %arg6[%get3A_261] {strides = array<i32>} : memref<65536xf32, #tpu.memory_space<vmem>>, vector<16xf32>,
        %add3A_263 = arith.addi %add3A_90, %mul3A_259 : i32
        %swap3A_264 = arith.index_cast %add3A_263 : i32 to index
        %swap3A_265 = tpu.vector_load %arg7[%swap3A_264] {strides = array<i32>} : memref<32768xf32, #tpu.memory_space<vmem>>, vector<16xf32>,
        tpu.vector_store %arg7[%swap3A_264], %get3A_262 {strides = array<i32>} : memref<32768xf32, #tpu.memory_space<vmem>>, vector<16xf32>,
        %mul3A_266 = arith.constant 8 : i32
        %mul3A_267 = arith.muli %scan3A_230, %mul3A_266 : i32
        %add3A_268 = arith.constant 3 : i32
        %add3A_269 = arith.addi %mul3A_267, %add3A_268 : i32
        %mul3A_270 = arith.constant 16 : i32
        %mul3A_271 = arith.muli %add3A_269, %mul3A_270 : i32
        %add3A_272 = arith.addi %mul3A_86, %mul3A_271 : i32
        %get3A_273 = arith.index_cast %add3A_272 : i32 to index
        %get3A_274 = tpu.vector_load %arg6[%get3A_273] {strides = array<i32>} : memref<65536xf32, #tpu.memory_space<vmem>>, vector<16xf32>,
        %add3A_275 = arith.addi %add3A_90, %mul3A_271 : i32
        %swap3A_276 = arith.index_cast %add3A_275 : i32 to index
        %swap3A_277 = tpu.vector_load %arg7[%swap3A_276] {strides = array<i32>} : memref<32768xf32, #tpu.memory_space<vmem>>, vector<16xf32>,
        tpu.vector_store %arg7[%swap3A_276], %get3A_274 {strides = array<i32>} : memref<32768xf32, #tpu.memory_space<vmem>>, vector<16xf32>,
        %mul3A_278 = arith.constant 8 : i32
        %mul3A_279 = arith.muli %scan3A_230, %mul3A_278 : i32
        %add3A_280 = arith.constant 4 : i32
        %add3A_281 = arith.addi %mul3A_279, %add3A_280 : i32
        %mul3A_282 = arith.constant 16 : i32
        %mul3A_283 = arith.muli %add3A_281, %mul3A_282 : i32
        %add3A_284 = arith.addi %mul3A_86, %mul3A_283 : i32
        %get3A_285 = arith.index_cast %add3A_284 : i32 to index
        %get3A_286 = tpu.vector_load %arg6[%get3A_285] {strides = array<i32>} : memref<65536xf32, #tpu.memory_space<vmem>>, vector<16xf32>,
        %add3A_287 = arith.addi %add3A_90, %mul3A_283 : i32
        %swap3A_288 = arith.index_cast %add3A_287 : i32 to index
        %swap3A_289 = tpu.vector_load %arg7[%swap3A_288] {strides = array<i32>} : memref<32768xf32, #tpu.memory_space<vmem>>, vector<16xf32>,
        tpu.vector_store %arg7[%swap3A_288], %get3A_286 {strides = array<i32>} : memref<32768xf32, #tpu.memory_space<vmem>>, vector<16xf32>,
        %mul3A_290 = arith.constant 8 : i32
        %mul3A_291 = arith.muli %scan3A_230, %mul3A_290 : i32
        %add3A_292 = arith.constant 5 : i32
        %add3A_293 = arith.addi %mul3A_291, %add3A_292 : i32
        %mul3A_294 = arith.constant 16 : i32
        %mul3A_295 = arith.muli %add3A_293, %mul3A_294 : i32
        %add3A_296 = arith.addi %mul3A_86, %mul3A_295 : i32
        %get3A_297 = arith.index_cast %add3A_296 : i32 to index
        %get3A_298 = tpu.vector_load %arg6[%get3A_297] {strides = array<i32>} : memref<65536xf32, #tpu.memory_space<vmem>>, vector<16xf32>,
        %add3A_299 = arith.addi %add3A_90, %mul3A_295 : i32
        %swap3A_300 = arith.index_cast %add3A_299 : i32 to index
        %swap3A_301 = tpu.vector_load %arg7[%swap3A_300] {strides = array<i32>} : memref<32768xf32, #tpu.memory_space<vmem>>, vector<16xf32>,
        tpu.vector_store %arg7[%swap3A_300], %get3A_298 {strides = array<i32>} : memref<32768xf32, #tpu.memory_space<vmem>>, vector<16xf32>,
        %mul3A_302 = arith.constant 8 : i32
        %mul3A_303 = arith.muli %scan3A_230, %mul3A_302 : i32
        %add3A_304 = arith.constant 6 : i32
        %add3A_305 = arith.addi %mul3A_303, %add3A_304 : i32
        %mul3A_306 = arith.constant 16 : i32
        %mul3A_307 = arith.muli %add3A_305, %mul3A_306 : i32
        %add3A_308 = arith.addi %mul3A_86, %mul3A_307 : i32
        %get3A_309 = arith.index_cast %add3A_308 : i32 to index
        %get3A_310 = tpu.vector_load %arg6[%get3A_309] {strides = array<i32>} : memref<65536xf32, #tpu.memory_space<vmem>>, vector<16xf32>,
        %add3A_311 = arith.addi %add3A_90, %mul3A_307 : i32
        %swap3A_312 = arith.index_cast %add3A_311 : i32 to index
        %swap3A_313 = tpu.vector_load %arg7[%swap3A_312] {strides = array<i32>} : memref<32768xf32, #tpu.memory_space<vmem>>, vector<16xf32>,
        tpu.vector_store %arg7[%swap3A_312], %get3A_310 {strides = array<i32>} : memref<32768xf32, #tpu.memory_space<vmem>>, vector<16xf32>,
        %mul3A_314 = arith.constant 8 : i32
        %mul3A_315 = arith.muli %scan3A_230, %mul3A_314 : i32
        %add3A_316 = arith.constant 7 : i32
        %add3A_317 = arith.addi %mul3A_315, %add3A_316 : i32
        %mul3A_318 = arith.constant 16 : i32
        %mul3A_319 = arith.muli %add3A_317, %mul3A_318 : i32
        %add3A_320 = arith.addi %mul3A_86, %mul3A_319 : i32
        %get3A_321 = arith.index_cast %add3A_320 : i32 to index
        %get3A_322 = tpu.vector_load %arg6[%get3A_321] {strides = array<i32>} : memref<65536xf32, #tpu.memory_space<vmem>>, vector<16xf32>,
        %add3A_323 = arith.addi %add3A_90, %mul3A_319 : i32
        %swap3A_324 = arith.index_cast %add3A_323 : i32 to index
        %swap3A_325 = tpu.vector_load %arg7[%swap3A_324] {strides = array<i32>} : memref<32768xf32, #tpu.memory_space<vmem>>, vector<16xf32>,
        tpu.vector_store %arg7[%swap3A_324], %get3A_322 {strides = array<i32>} : memref<32768xf32, #tpu.memory_space<vmem>>, vector<16xf32>,
      }
      %scan3A_96 = arith.constant 32 : i32
      %jit3A_97 = arith.constant 4 : i32
      %eq3A_98 = arith.constant 0 : i32
      %eq3A_99 = arith.cmpi eq, %jit3A_97, %eq3A_98 : i32
      %jit3A_100 = arith.constant 1 : i32
      %select_n3A_101 = arith.select %eq3A_99, %jit3A_100, %jit3A_97 : i32
      %rem3A_102 = arith.remsi %scan3A_25, %select_n3A_101 : i32
      %ne3A_103 = arith.constant 0 : i32
      %ne3A_104 = arith.cmpi ne, %rem3A_102, %ne3A_103 : i32
      %lt3A_105 = arith.constant 0 : i32
      %lt3A_106 = arith.cmpi slt, %rem3A_102, %lt3A_105 : i32
      %lt3A_107 = arith.constant 0 : i32
      %lt3A_108 = arith.cmpi slt, %select_n3A_101, %lt3A_107 : i32
      %ne3A_109 = arith.xori %lt3A_106, %lt3A_108 : i1
      %and3A_110 = arith.andi %ne3A_109, %ne3A_104 : i1
      %add3A_111 = arith.addi %rem3A_102, %select_n3A_101 : i32
      %select_n3A_112 = arith.select %and3A_110, %add3A_111, %rem3A_102 : i32
      %mul3A_113 = arith.constant 4 : i32
      %mul3A_114 = arith.muli %select_n3A_112, %mul3A_113 : i32
      %add3A_115 = arith.constant 1 : i32
      %add3A_116 = arith.addi %mul3A_114, %add3A_115 : i32
      %eq3A_117 = vector.broadcast %add3A_116 : i32 to vector<16xi32>
      %eq3A_118 = arith.cmpi eq, %iota3A, %eq3A_117 : vector<16xi32>
      %jit3A_119 = arith.constant 0 : i32
      %broadcast_in_dim3A_120 = vector.broadcast %jit3A_119 : i32 to vector<16xi32>
      %select_n3A_121 = arith.select %eq3A_118, %get3A_58, %broadcast_in_dim3A_120 : vector<16xi1>, vector<16xi32>
      %reduce_sum3A_122 = arith.constant true
      %reduce_sum3A_123 = vector.broadcast %reduce_sum3A_122 : i1 to vector<16xi1>
      %reduce_sum3A_124 = tpu.scan <sum>, %select_n3A_121 masked %reduce_sum3A_123 : vector<16xi32>, vector<16xi1> -> vector<16xi32>
      %reduce_sum3A_125 = vector.extract %reduce_sum3A_124[15] : i32 from vector<16xi32>
      %mul3A_126 = arith.constant 4096 : i32
      %mul3A_127 = arith.muli %reduce_sum3A_125, %mul3A_126 : i32
      %mul3A_128 = arith.constant 16384 : i32
      %mul3A_129 = arith.muli %rem3A_26, %mul3A_128 : i32
      %add3A_130 = arith.constant 4096 : i32
      %add3A_131 = arith.addi %mul3A_129, %add3A_130 : i32
      %scan3A_132 = arith.constant 0 : i32
      %scan3A_133 = arith.constant 0 : i32
      %scan3A_134 = arith.constant 32 : i32
      %scan3A_135 = arith.addi %scan3A_133, %scan3A_134 : i32
      %scan3A_136 = arith.constant 1 : i32
      scf.for %scan3A_230 = %scan3A_133 to %scan3A_135 step %scan3A_136  : i32 {
        %mul3A_231 = arith.constant 8 : i32
        %mul3A_232 = arith.muli %scan3A_230, %mul3A_231 : i32
        %add3A_233 = arith.constant 0 : i32
        %add3A_234 = arith.addi %mul3A_232, %add3A_233 : i32
        %mul3A_235 = arith.constant 16 : i32
        %mul3A_236 = arith.muli %add3A_234, %mul3A_235 : i32
        %add3A_237 = arith.addi %mul3A_127, %mul3A_236 : i32
        %get3A_238 = arith.index_cast %add3A_237 : i32 to index
        %get3A_239 = tpu.vector_load %arg6[%get3A_238] {strides = array<i32>} : memref<65536xf32, #tpu.memory_space<vmem>>, vector<16xf32>,
        %add3A_240 = arith.addi %add3A_131, %mul3A_236 : i32
        %swap3A = arith.index_cast %add3A_240 : i32 to index
        %swap3A_241 = tpu.vector_load %arg7[%swap3A] {strides = array<i32>} : memref<32768xf32, #tpu.memory_space<vmem>>, vector<16xf32>,
        tpu.vector_store %arg7[%swap3A], %get3A_239 {strides = array<i32>} : memref<32768xf32, #tpu.memory_space<vmem>>, vector<16xf32>,
        %mul3A_242 = arith.constant 8 : i32
        %mul3A_243 = arith.muli %scan3A_230, %mul3A_242 : i32
        %add3A_244 = arith.constant 1 : i32
        %add3A_245 = arith.addi %mul3A_243, %add3A_244 : i32
        %mul3A_246 = arith.constant 16 : i32
        %mul3A_247 = arith.muli %add3A_245, %mul3A_246 : i32
        %add3A_248 = arith.addi %mul3A_127, %mul3A_247 : i32
        %get3A_249 = arith.index_cast %add3A_248 : i32 to index
        %get3A_250 = tpu.vector_load %arg6[%get3A_249] {strides = array<i32>} : memref<65536xf32, #tpu.memory_space<vmem>>, vector<16xf32>,
        %add3A_251 = arith.addi %add3A_131, %mul3A_247 : i32
        %swap3A_252 = arith.index_cast %add3A_251 : i32 to index
        %swap3A_253 = tpu.vector_load %arg7[%swap3A_252] {strides = array<i32>} : memref<32768xf32, #tpu.memory_space<vmem>>, vector<16xf32>,
        tpu.vector_store %arg7[%swap3A_252], %get3A_250 {strides = array<i32>} : memref<32768xf32, #tpu.memory_space<vmem>>, vector<16xf32>,
        %mul3A_254 = arith.constant 8 : i32
        %mul3A_255 = arith.muli %scan3A_230, %mul3A_254 : i32
        %add3A_256 = arith.constant 2 : i32
        %add3A_257 = arith.addi %mul3A_255, %add3A_256 : i32
        %mul3A_258 = arith.constant 16 : i32
        %mul3A_259 = arith.muli %add3A_257, %mul3A_258 : i32
        %add3A_260 = arith.addi %mul3A_127, %mul3A_259 : i32
        %get3A_261 = arith.index_cast %add3A_260 : i32 to index
        %get3A_262 = tpu.vector_load %arg6[%get3A_261] {strides = array<i32>} : memref<65536xf32, #tpu.memory_space<vmem>>, vector<16xf32>,
        %add3A_263 = arith.addi %add3A_131, %mul3A_259 : i32
        %swap3A_264 = arith.index_cast %add3A_263 : i32 to index
        %swap3A_265 = tpu.vector_load %arg7[%swap3A_264] {strides = array<i32>} : memref<32768xf32, #tpu.memory_space<vmem>>, vector<16xf32>,
        tpu.vector_store %arg7[%swap3A_264], %get3A_262 {strides = array<i32>} : memref<32768xf32, #tpu.memory_space<vmem>>, vector<16xf32>,
        %mul3A_266 = arith.constant 8 : i32
        %mul3A_267 = arith.muli %scan3A_230, %mul3A_266 : i32
        %add3A_268 = arith.constant 3 : i32
        %add3A_269 = arith.addi %mul3A_267, %add3A_268 : i32
        %mul3A_270 = arith.constant 16 : i32
        %mul3A_271 = arith.muli %add3A_269, %mul3A_270 : i32
        %add3A_272 = arith.addi %mul3A_127, %mul3A_271 : i32
        %get3A_273 = arith.index_cast %add3A_272 : i32 to index
        %get3A_274 = tpu.vector_load %arg6[%get3A_273] {strides = array<i32>} : memref<65536xf32, #tpu.memory_space<vmem>>, vector<16xf32>,
        %add3A_275 = arith.addi %add3A_131, %mul3A_271 : i32
        %swap3A_276 = arith.index_cast %add3A_275 : i32 to index
        %swap3A_277 = tpu.vector_load %arg7[%swap3A_276] {strides = array<i32>} : memref<32768xf32, #tpu.memory_space<vmem>>, vector<16xf32>,
        tpu.vector_store %arg7[%swap3A_276], %get3A_274 {strides = array<i32>} : memref<32768xf32, #tpu.memory_space<vmem>>, vector<16xf32>,
        %mul3A_278 = arith.constant 8 : i32
        %mul3A_279 = arith.muli %scan3A_230, %mul3A_278 : i32
        %add3A_280 = arith.constant 4 : i32
        %add3A_281 = arith.addi %mul3A_279, %add3A_280 : i32
        %mul3A_282 = arith.constant 16 : i32
        %mul3A_283 = arith.muli %add3A_281, %mul3A_282 : i32
        %add3A_284 = arith.addi %mul3A_127, %mul3A_283 : i32
        %get3A_285 = arith.index_cast %add3A_284 : i32 to index
        %get3A_286 = tpu.vector_load %arg6[%get3A_285] {strides = array<i32>} : memref<65536xf32, #tpu.memory_space<vmem>>, vector<16xf32>,
        %add3A_287 = arith.addi %add3A_131, %mul3A_283 : i32
        %swap3A_288 = arith.index_cast %add3A_287 : i32 to index
        %swap3A_289 = tpu.vector_load %arg7[%swap3A_288] {strides = array<i32>} : memref<32768xf32, #tpu.memory_space<vmem>>, vector<16xf32>,
        tpu.vector_store %arg7[%swap3A_288], %get3A_286 {strides = array<i32>} : memref<32768xf32, #tpu.memory_space<vmem>>, vector<16xf32>,
        %mul3A_290 = arith.constant 8 : i32
        %mul3A_291 = arith.muli %scan3A_230, %mul3A_290 : i32
        %add3A_292 = arith.constant 5 : i32
        %add3A_293 = arith.addi %mul3A_291, %add3A_292 : i32
        %mul3A_294 = arith.constant 16 : i32
        %mul3A_295 = arith.muli %add3A_293, %mul3A_294 : i32
        %add3A_296 = arith.addi %mul3A_127, %mul3A_295 : i32
        %get3A_297 = arith.index_cast %add3A_296 : i32 to index
        %get3A_298 = tpu.vector_load %arg6[%get3A_297] {strides = array<i32>} : memref<65536xf32, #tpu.memory_space<vmem>>, vector<16xf32>,
        %add3A_299 = arith.addi %add3A_131, %mul3A_295 : i32
        %swap3A_300 = arith.index_cast %add3A_299 : i32 to index
        %swap3A_301 = tpu.vector_load %arg7[%swap3A_300] {strides = array<i32>} : memref<32768xf32, #tpu.memory_space<vmem>>, vector<16xf32>,
        tpu.vector_store %arg7[%swap3A_300], %get3A_298 {strides = array<i32>} : memref<32768xf32, #tpu.memory_space<vmem>>, vector<16xf32>,
        %mul3A_302 = arith.constant 8 : i32
        %mul3A_303 = arith.muli %scan3A_230, %mul3A_302 : i32
        %add3A_304 = arith.constant 6 : i32
        %add3A_305 = arith.addi %mul3A_303, %add3A_304 : i32
        %mul3A_306 = arith.constant 16 : i32
        %mul3A_307 = arith.muli %add3A_305, %mul3A_306 : i32
        %add3A_308 = arith.addi %mul3A_127, %mul3A_307 : i32
        %get3A_309 = arith.index_cast %add3A_308 : i32 to index
        %get3A_310 = tpu.vector_load %arg6[%get3A_309] {strides = array<i32>} : memref<65536xf32, #tpu.memory_space<vmem>>, vector<16xf32>,
        %add3A_311 = arith.addi %add3A_131, %mul3A_307 : i32
        %swap3A_312 = arith.index_cast %add3A_311 : i32 to index
        %swap3A_313 = tpu.vector_load %arg7[%swap3A_312] {strides = array<i32>} : memref<32768xf32, #tpu.memory_space<vmem>>, vector<16xf32>,
        tpu.vector_store %arg7[%swap3A_312], %get3A_310 {strides = array<i32>} : memref<32768xf32, #tpu.memory_space<vmem>>, vector<16xf32>,
        %mul3A_314 = arith.constant 8 : i32
        %mul3A_315 = arith.muli %scan3A_230, %mul3A_314 : i32
        %add3A_316 = arith.constant 7 : i32
        %add3A_317 = arith.addi %mul3A_315, %add3A_316 : i32
        %mul3A_318 = arith.constant 16 : i32
        %mul3A_319 = arith.muli %add3A_317, %mul3A_318 : i32
        %add3A_320 = arith.addi %mul3A_127, %mul3A_319 : i32
        %get3A_321 = arith.index_cast %add3A_320 : i32 to index
        %get3A_322 = tpu.vector_load %arg6[%get3A_321] {strides = array<i32>} : memref<65536xf32, #tpu.memory_space<vmem>>, vector<16xf32>,
        %add3A_323 = arith.addi %add3A_131, %mul3A_319 : i32
        %swap3A_324 = arith.index_cast %add3A_323 : i32 to index
        %swap3A_325 = tpu.vector_load %arg7[%swap3A_324] {strides = array<i32>} : memref<32768xf32, #tpu.memory_space<vmem>>, vector<16xf32>,
        tpu.vector_store %arg7[%swap3A_324], %get3A_322 {strides = array<i32>} : memref<32768xf32, #tpu.memory_space<vmem>>, vector<16xf32>,
      }
      %scan3A_137 = arith.constant 32 : i32
      %jit3A_138 = arith.constant 4 : i32
      %eq3A_139 = arith.constant 0 : i32
      %eq3A_140 = arith.cmpi eq, %jit3A_138, %eq3A_139 : i32
      %jit3A_141 = arith.constant 1 : i32
      %select_n3A_142 = arith.select %eq3A_140, %jit3A_141, %jit3A_138 : i32
      %rem3A_143 = arith.remsi %scan3A_25, %select_n3A_142 : i32
      %ne3A_144 = arith.constant 0 : i32
      %ne3A_145 = arith.cmpi ne, %rem3A_143, %ne3A_144 : i32
      %lt3A_146 = arith.constant 0 : i32
      %lt3A_147 = arith.cmpi slt, %rem3A_143, %lt3A_146 : i32
      %lt3A_148 = arith.constant 0 : i32
      %lt3A_149 = arith.cmpi slt, %select_n3A_142, %lt3A_148 : i32
      %ne3A_150 = arith.xori %lt3A_147, %lt3A_149 : i1
      %and3A_151 = arith.andi %ne3A_150, %ne3A_145 : i1
      %add3A_152 = arith.addi %rem3A_143, %select_n3A_142 : i32
      %select_n3A_153 = arith.select %and3A_151, %add3A_152, %rem3A_143 : i32
      %mul3A_154 = arith.constant 4 : i32
      %mul3A_155 = arith.muli %select_n3A_153, %mul3A_154 : i32
      %add3A_156 = arith.constant 2 : i32
      %add3A_157 = arith.addi %mul3A_155, %add3A_156 : i32
      %eq3A_158 = vector.broadcast %add3A_157 : i32 to vector<16xi32>
      %eq3A_159 = arith.cmpi eq, %iota3A, %eq3A_158 : vector<16xi32>
      %jit3A_160 = arith.constant 0 : i32
      %broadcast_in_dim3A_161 = vector.broadcast %jit3A_160 : i32 to vector<16xi32>
      %select_n3A_162 = arith.select %eq3A_159, %get3A_58, %broadcast_in_dim3A_161 : vector<16xi1>, vector<16xi32>
      %reduce_sum3A_163 = arith.constant true
      %reduce_sum3A_164 = vector.broadcast %reduce_sum3A_163 : i1 to vector<16xi1>
      %reduce_sum3A_165 = tpu.scan <sum>, %select_n3A_162 masked %reduce_sum3A_164 : vector<16xi32>, vector<16xi1> -> vector<16xi32>
      %reduce_sum3A_166 = vector.extract %reduce_sum3A_165[15] : i32 from vector<16xi32>
      %mul3A_167 = arith.constant 4096 : i32
      %mul3A_168 = arith.muli %reduce_sum3A_166, %mul3A_167 : i32
      %mul3A_169 = arith.constant 16384 : i32
      %mul3A_170 = arith.muli %rem3A_26, %mul3A_169 : i32
      %add3A_171 = arith.constant 8192 : i32
      %add3A_172 = arith.addi %mul3A_170, %add3A_171 : i32
      %scan3A_173 = arith.constant 0 : i32
      %scan3A_174 = arith.constant 0 : i32
      %scan3A_175 = arith.constant 32 : i32
      %scan3A_176 = arith.addi %scan3A_174, %scan3A_175 : i32
      %scan3A_177 = arith.constant 1 : i32
      scf.for %scan3A_230 = %scan3A_174 to %scan3A_176 step %scan3A_177  : i32 {
        %mul3A_231 = arith.constant 8 : i32
        %mul3A_232 = arith.muli %scan3A_230, %mul3A_231 : i32
        %add3A_233 = arith.constant 0 : i32
        %add3A_234 = arith.addi %mul3A_232, %add3A_233 : i32
        %mul3A_235 = arith.constant 16 : i32
        %mul3A_236 = arith.muli %add3A_234, %mul3A_235 : i32
        %add3A_237 = arith.addi %mul3A_168, %mul3A_236 : i32
        %get3A_238 = arith.index_cast %add3A_237 : i32 to index
        %get3A_239 = tpu.vector_load %arg6[%get3A_238] {strides = array<i32>} : memref<65536xf32, #tpu.memory_space<vmem>>, vector<16xf32>,
        %add3A_240 = arith.addi %add3A_172, %mul3A_236 : i32
        %swap3A = arith.index_cast %add3A_240 : i32 to index
        %swap3A_241 = tpu.vector_load %arg7[%swap3A] {strides = array<i32>} : memref<32768xf32, #tpu.memory_space<vmem>>, vector<16xf32>,
        tpu.vector_store %arg7[%swap3A], %get3A_239 {strides = array<i32>} : memref<32768xf32, #tpu.memory_space<vmem>>, vector<16xf32>,
        %mul3A_242 = arith.constant 8 : i32
        %mul3A_243 = arith.muli %scan3A_230, %mul3A_242 : i32
        %add3A_244 = arith.constant 1 : i32
        %add3A_245 = arith.addi %mul3A_243, %add3A_244 : i32
        %mul3A_246 = arith.constant 16 : i32
        %mul3A_247 = arith.muli %add3A_245, %mul3A_246 : i32
        %add3A_248 = arith.addi %mul3A_168, %mul3A_247 : i32
        %get3A_249 = arith.index_cast %add3A_248 : i32 to index
        %get3A_250 = tpu.vector_load %arg6[%get3A_249] {strides = array<i32>} : memref<65536xf32, #tpu.memory_space<vmem>>, vector<16xf32>,
        %add3A_251 = arith.addi %add3A_172, %mul3A_247 : i32
        %swap3A_252 = arith.index_cast %add3A_251 : i32 to index
        %swap3A_253 = tpu.vector_load %arg7[%swap3A_252] {strides = array<i32>} : memref<32768xf32, #tpu.memory_space<vmem>>, vector<16xf32>,
        tpu.vector_store %arg7[%swap3A_252], %get3A_250 {strides = array<i32>} : memref<32768xf32, #tpu.memory_space<vmem>>, vector<16xf32>,
        %mul3A_254 = arith.constant 8 : i32
        %mul3A_255 = arith.muli %scan3A_230, %mul3A_254 : i32
        %add3A_256 = arith.constant 2 : i32
        %add3A_257 = arith.addi %mul3A_255, %add3A_256 : i32
        %mul3A_258 = arith.constant 16 : i32
        %mul3A_259 = arith.muli %add3A_257, %mul3A_258 : i32
        %add3A_260 = arith.addi %mul3A_168, %mul3A_259 : i32
        %get3A_261 = arith.index_cast %add3A_260 : i32 to index
        %get3A_262 = tpu.vector_load %arg6[%get3A_261] {strides = array<i32>} : memref<65536xf32, #tpu.memory_space<vmem>>, vector<16xf32>,
        %add3A_263 = arith.addi %add3A_172, %mul3A_259 : i32
        %swap3A_264 = arith.index_cast %add3A_263 : i32 to index
        %swap3A_265 = tpu.vector_load %arg7[%swap3A_264] {strides = array<i32>} : memref<32768xf32, #tpu.memory_space<vmem>>, vector<16xf32>,
        tpu.vector_store %arg7[%swap3A_264], %get3A_262 {strides = array<i32>} : memref<32768xf32, #tpu.memory_space<vmem>>, vector<16xf32>,
        %mul3A_266 = arith.constant 8 : i32
        %mul3A_267 = arith.muli %scan3A_230, %mul3A_266 : i32
        %add3A_268 = arith.constant 3 : i32
        %add3A_269 = arith.addi %mul3A_267, %add3A_268 : i32
        %mul3A_270 = arith.constant 16 : i32
        %mul3A_271 = arith.muli %add3A_269, %mul3A_270 : i32
        %add3A_272 = arith.addi %mul3A_168, %mul3A_271 : i32
        %get3A_273 = arith.index_cast %add3A_272 : i32 to index
        %get3A_274 = tpu.vector_load %arg6[%get3A_273] {strides = array<i32>} : memref<65536xf32, #tpu.memory_space<vmem>>, vector<16xf32>,
        %add3A_275 = arith.addi %add3A_172, %mul3A_271 : i32
        %swap3A_276 = arith.index_cast %add3A_275 : i32 to index
        %swap3A_277 = tpu.vector_load %arg7[%swap3A_276] {strides = array<i32>} : memref<32768xf32, #tpu.memory_space<vmem>>, vector<16xf32>,
        tpu.vector_store %arg7[%swap3A_276], %get3A_274 {strides = array<i32>} : memref<32768xf32, #tpu.memory_space<vmem>>, vector<16xf32>,
        %mul3A_278 = arith.constant 8 : i32
        %mul3A_279 = arith.muli %scan3A_230, %mul3A_278 : i32
        %add3A_280 = arith.constant 4 : i32
        %add3A_281 = arith.addi %mul3A_279, %add3A_280 : i32
        %mul3A_282 = arith.constant 16 : i32
        %mul3A_283 = arith.muli %add3A_281, %mul3A_282 : i32
        %add3A_284 = arith.addi %mul3A_168, %mul3A_283 : i32
        %get3A_285 = arith.index_cast %add3A_284 : i32 to index
        %get3A_286 = tpu.vector_load %arg6[%get3A_285] {strides = array<i32>} : memref<65536xf32, #tpu.memory_space<vmem>>, vector<16xf32>,
        %add3A_287 = arith.addi %add3A_172, %mul3A_283 : i32
        %swap3A_288 = arith.index_cast %add3A_287 : i32 to index
        %swap3A_289 = tpu.vector_load %arg7[%swap3A_288] {strides = array<i32>} : memref<32768xf32, #tpu.memory_space<vmem>>, vector<16xf32>,
        tpu.vector_store %arg7[%swap3A_288], %get3A_286 {strides = array<i32>} : memref<32768xf32, #tpu.memory_space<vmem>>, vector<16xf32>,
        %mul3A_290 = arith.constant 8 : i32
        %mul3A_291 = arith.muli %scan3A_230, %mul3A_290 : i32
        %add3A_292 = arith.constant 5 : i32
        %add3A_293 = arith.addi %mul3A_291, %add3A_292 : i32
        %mul3A_294 = arith.constant 16 : i32
        %mul3A_295 = arith.muli %add3A_293, %mul3A_294 : i32
        %add3A_296 = arith.addi %mul3A_168, %mul3A_295 : i32
        %get3A_297 = arith.index_cast %add3A_296 : i32 to index
        %get3A_298 = tpu.vector_load %arg6[%get3A_297] {strides = array<i32>} : memref<65536xf32, #tpu.memory_space<vmem>>, vector<16xf32>,
        %add3A_299 = arith.addi %add3A_172, %mul3A_295 : i32
        %swap3A_300 = arith.index_cast %add3A_299 : i32 to index
        %swap3A_301 = tpu.vector_load %arg7[%swap3A_300] {strides = array<i32>} : memref<32768xf32, #tpu.memory_space<vmem>>, vector<16xf32>,
        tpu.vector_store %arg7[%swap3A_300], %get3A_298 {strides = array<i32>} : memref<32768xf32, #tpu.memory_space<vmem>>, vector<16xf32>,
        %mul3A_302 = arith.constant 8 : i32
        %mul3A_303 = arith.muli %scan3A_230, %mul3A_302 : i32
        %add3A_304 = arith.constant 6 : i32
        %add3A_305 = arith.addi %mul3A_303, %add3A_304 : i32
        %mul3A_306 = arith.constant 16 : i32
        %mul3A_307 = arith.muli %add3A_305, %mul3A_306 : i32
        %add3A_308 = arith.addi %mul3A_168, %mul3A_307 : i32
        %get3A_309 = arith.index_cast %add3A_308 : i32 to index
        %get3A_310 = tpu.vector_load %arg6[%get3A_309] {strides = array<i32>} : memref<65536xf32, #tpu.memory_space<vmem>>, vector<16xf32>,
        %add3A_311 = arith.addi %add3A_172, %mul3A_307 : i32
        %swap3A_312 = arith.index_cast %add3A_311 : i32 to index
        %swap3A_313 = tpu.vector_load %arg7[%swap3A_312] {strides = array<i32>} : memref<32768xf32, #tpu.memory_space<vmem>>, vector<16xf32>,
        tpu.vector_store %arg7[%swap3A_312], %get3A_310 {strides = array<i32>} : memref<32768xf32, #tpu.memory_space<vmem>>, vector<16xf32>,
        %mul3A_314 = arith.constant 8 : i32
        %mul3A_315 = arith.muli %scan3A_230, %mul3A_314 : i32
        %add3A_316 = arith.constant 7 : i32
        %add3A_317 = arith.addi %mul3A_315, %add3A_316 : i32
        %mul3A_318 = arith.constant 16 : i32
        %mul3A_319 = arith.muli %add3A_317, %mul3A_318 : i32
        %add3A_320 = arith.addi %mul3A_168, %mul3A_319 : i32
        %get3A_321 = arith.index_cast %add3A_320 : i32 to index
        %get3A_322 = tpu.vector_load %arg6[%get3A_321] {strides = array<i32>} : memref<65536xf32, #tpu.memory_space<vmem>>, vector<16xf32>,
        %add3A_323 = arith.addi %add3A_172, %mul3A_319 : i32
        %swap3A_324 = arith.index_cast %add3A_323 : i32 to index
        %swap3A_325 = tpu.vector_load %arg7[%swap3A_324] {strides = array<i32>} : memref<32768xf32, #tpu.memory_space<vmem>>, vector<16xf32>,
        tpu.vector_store %arg7[%swap3A_324], %get3A_322 {strides = array<i32>} : memref<32768xf32, #tpu.memory_space<vmem>>, vector<16xf32>,
      }
      %scan3A_178 = arith.constant 32 : i32
      %jit3A_179 = arith.constant 4 : i32
      %eq3A_180 = arith.constant 0 : i32
      %eq3A_181 = arith.cmpi eq, %jit3A_179, %eq3A_180 : i32
      %jit3A_182 = arith.constant 1 : i32
      %select_n3A_183 = arith.select %eq3A_181, %jit3A_182, %jit3A_179 : i32
      %rem3A_184 = arith.remsi %scan3A_25, %select_n3A_183 : i32
      %ne3A_185 = arith.constant 0 : i32
      %ne3A_186 = arith.cmpi ne, %rem3A_184, %ne3A_185 : i32
      %lt3A_187 = arith.constant 0 : i32
      %lt3A_188 = arith.cmpi slt, %rem3A_184, %lt3A_187 : i32
      %lt3A_189 = arith.constant 0 : i32
      %lt3A_190 = arith.cmpi slt, %select_n3A_183, %lt3A_189 : i32
      %ne3A_191 = arith.xori %lt3A_188, %lt3A_190 : i1
      %and3A_192 = arith.andi %ne3A_191, %ne3A_186 : i1
      %add3A_193 = arith.addi %rem3A_184, %select_n3A_183 : i32
      %select_n3A_194 = arith.select %and3A_192, %add3A_193, %rem3A_184 : i32
      %mul3A_195 = arith.constant 4 : i32
      %mul3A_196 = arith.muli %select_n3A_194, %mul3A_195 : i32
      %add3A_197 = arith.constant 3 : i32
      %add3A_198 = arith.addi %mul3A_196, %add3A_197 : i32
      %eq3A_199 = vector.broadcast %add3A_198 : i32 to vector<16xi32>
      %eq3A_200 = arith.cmpi eq, %iota3A, %eq3A_199 : vector<16xi32>
      %jit3A_201 = arith.constant 0 : i32
      %broadcast_in_dim3A_202 = vector.broadcast %jit3A_201 : i32 to vector<16xi32>
      %select_n3A_203 = arith.select %eq3A_200, %get3A_58, %broadcast_in_dim3A_202 : vector<16xi1>, vector<16xi32>
      %reduce_sum3A_204 = arith.constant true
      %reduce_sum3A_205 = vector.broadcast %reduce_sum3A_204 : i1 to vector<16xi1>
      %reduce_sum3A_206 = tpu.scan <sum>, %select_n3A_203 masked %reduce_sum3A_205 : vector<16xi32>, vector<16xi1> -> vector<16xi32>
      %reduce_sum3A_207 = vector.extract %reduce_sum3A_206[15] : i32 from vector<16xi32>
      %mul3A_208 = arith.constant 4096 : i32
      %mul3A_209 = arith.muli %reduce_sum3A_207, %mul3A_208 : i32
      %mul3A_210 = arith.constant 16384 : i32
      %mul3A_211 = arith.muli %rem3A_26, %mul3A_210 : i32
      %add3A_212 = arith.constant 12288 : i32
      %add3A_213 = arith.addi %mul3A_211, %add3A_212 : i32
      %scan3A_214 = arith.constant 0 : i32
      %scan3A_215 = arith.constant 0 : i32
      %scan3A_216 = arith.constant 32 : i32
      %scan3A_217 = arith.addi %scan3A_215, %scan3A_216 : i32
      %scan3A_218 = arith.constant 1 : i32
      scf.for %scan3A_230 = %scan3A_215 to %scan3A_217 step %scan3A_218  : i32 {
        %mul3A_231 = arith.constant 8 : i32
        %mul3A_232 = arith.muli %scan3A_230, %mul3A_231 : i32
        %add3A_233 = arith.constant 0 : i32
        %add3A_234 = arith.addi %mul3A_232, %add3A_233 : i32
        %mul3A_235 = arith.constant 16 : i32
        %mul3A_236 = arith.muli %add3A_234, %mul3A_235 : i32
        %add3A_237 = arith.addi %mul3A_209, %mul3A_236 : i32
        %get3A_238 = arith.index_cast %add3A_237 : i32 to index
        %get3A_239 = tpu.vector_load %arg6[%get3A_238] {strides = array<i32>} : memref<65536xf32, #tpu.memory_space<vmem>>, vector<16xf32>,
        %add3A_240 = arith.addi %add3A_213, %mul3A_236 : i32
        %swap3A = arith.index_cast %add3A_240 : i32 to index
        %swap3A_241 = tpu.vector_load %arg7[%swap3A] {strides = array<i32>} : memref<32768xf32, #tpu.memory_space<vmem>>, vector<16xf32>,
        tpu.vector_store %arg7[%swap3A], %get3A_239 {strides = array<i32>} : memref<32768xf32, #tpu.memory_space<vmem>>, vector<16xf32>,
        %mul3A_242 = arith.constant 8 : i32
        %mul3A_243 = arith.muli %scan3A_230, %mul3A_242 : i32
        %add3A_244 = arith.constant 1 : i32
        %add3A_245 = arith.addi %mul3A_243, %add3A_244 : i32
        %mul3A_246 = arith.constant 16 : i32
        %mul3A_247 = arith.muli %add3A_245, %mul3A_246 : i32
        %add3A_248 = arith.addi %mul3A_209, %mul3A_247 : i32
        %get3A_249 = arith.index_cast %add3A_248 : i32 to index
        %get3A_250 = tpu.vector_load %arg6[%get3A_249] {strides = array<i32>} : memref<65536xf32, #tpu.memory_space<vmem>>, vector<16xf32>,
        %add3A_251 = arith.addi %add3A_213, %mul3A_247 : i32
        %swap3A_252 = arith.index_cast %add3A_251 : i32 to index
        %swap3A_253 = tpu.vector_load %arg7[%swap3A_252] {strides = array<i32>} : memref<32768xf32, #tpu.memory_space<vmem>>, vector<16xf32>,
        tpu.vector_store %arg7[%swap3A_252], %get3A_250 {strides = array<i32>} : memref<32768xf32, #tpu.memory_space<vmem>>, vector<16xf32>,
        %mul3A_254 = arith.constant 8 : i32
        %mul3A_255 = arith.muli %scan3A_230, %mul3A_254 : i32
        %add3A_256 = arith.constant 2 : i32
        %add3A_257 = arith.addi %mul3A_255, %add3A_256 : i32
        %mul3A_258 = arith.constant 16 : i32
        %mul3A_259 = arith.muli %add3A_257, %mul3A_258 : i32
        %add3A_260 = arith.addi %mul3A_209, %mul3A_259 : i32
        %get3A_261 = arith.index_cast %add3A_260 : i32 to index
        %get3A_262 = tpu.vector_load %arg6[%get3A_261] {strides = array<i32>} : memref<65536xf32, #tpu.memory_space<vmem>>, vector<16xf32>,
        %add3A_263 = arith.addi %add3A_213, %mul3A_259 : i32
        %swap3A_264 = arith.index_cast %add3A_263 : i32 to index
        %swap3A_265 = tpu.vector_load %arg7[%swap3A_264] {strides = array<i32>} : memref<32768xf32, #tpu.memory_space<vmem>>, vector<16xf32>,
        tpu.vector_store %arg7[%swap3A_264], %get3A_262 {strides = array<i32>} : memref<32768xf32, #tpu.memory_space<vmem>>, vector<16xf32>,
        %mul3A_266 = arith.constant 8 : i32
        %mul3A_267 = arith.muli %scan3A_230, %mul3A_266 : i32
        %add3A_268 = arith.constant 3 : i32
        %add3A_269 = arith.addi %mul3A_267, %add3A_268 : i32
        %mul3A_270 = arith.constant 16 : i32
        %mul3A_271 = arith.muli %add3A_269, %mul3A_270 : i32
        %add3A_272 = arith.addi %mul3A_209, %mul3A_271 : i32
        %get3A_273 = arith.index_cast %add3A_272 : i32 to index
        %get3A_274 = tpu.vector_load %arg6[%get3A_273] {strides = array<i32>} : memref<65536xf32, #tpu.memory_space<vmem>>, vector<16xf32>,
        %add3A_275 = arith.addi %add3A_213, %mul3A_271 : i32
        %swap3A_276 = arith.index_cast %add3A_275 : i32 to index
        %swap3A_277 = tpu.vector_load %arg7[%swap3A_276] {strides = array<i32>} : memref<32768xf32, #tpu.memory_space<vmem>>, vector<16xf32>,
        tpu.vector_store %arg7[%swap3A_276], %get3A_274 {strides = array<i32>} : memref<32768xf32, #tpu.memory_space<vmem>>, vector<16xf32>,
        %mul3A_278 = arith.constant 8 : i32
        %mul3A_279 = arith.muli %scan3A_230, %mul3A_278 : i32
        %add3A_280 = arith.constant 4 : i32
        %add3A_281 = arith.addi %mul3A_279, %add3A_280 : i32
        %mul3A_282 = arith.constant 16 : i32
        %mul3A_283 = arith.muli %add3A_281, %mul3A_282 : i32
        %add3A_284 = arith.addi %mul3A_209, %mul3A_283 : i32
        %get3A_285 = arith.index_cast %add3A_284 : i32 to index
        %get3A_286 = tpu.vector_load %arg6[%get3A_285] {strides = array<i32>} : memref<65536xf32, #tpu.memory_space<vmem>>, vector<16xf32>,
        %add3A_287 = arith.addi %add3A_213, %mul3A_283 : i32
        %swap3A_288 = arith.index_cast %add3A_287 : i32 to index
        %swap3A_289 = tpu.vector_load %arg7[%swap3A_288] {strides = array<i32>} : memref<32768xf32, #tpu.memory_space<vmem>>, vector<16xf32>,
        tpu.vector_store %arg7[%swap3A_288], %get3A_286 {strides = array<i32>} : memref<32768xf32, #tpu.memory_space<vmem>>, vector<16xf32>,
        %mul3A_290 = arith.constant 8 : i32
        %mul3A_291 = arith.muli %scan3A_230, %mul3A_290 : i32
        %add3A_292 = arith.constant 5 : i32
        %add3A_293 = arith.addi %mul3A_291, %add3A_292 : i32
        %mul3A_294 = arith.constant 16 : i32
        %mul3A_295 = arith.muli %add3A_293, %mul3A_294 : i32
        %add3A_296 = arith.addi %mul3A_209, %mul3A_295 : i32
        %get3A_297 = arith.index_cast %add3A_296 : i32 to index
        %get3A_298 = tpu.vector_load %arg6[%get3A_297] {strides = array<i32>} : memref<65536xf32, #tpu.memory_space<vmem>>, vector<16xf32>,
        %add3A_299 = arith.addi %add3A_213, %mul3A_295 : i32
        %swap3A_300 = arith.index_cast %add3A_299 : i32 to index
        %swap3A_301 = tpu.vector_load %arg7[%swap3A_300] {strides = array<i32>} : memref<32768xf32, #tpu.memory_space<vmem>>, vector<16xf32>,
        tpu.vector_store %arg7[%swap3A_300], %get3A_298 {strides = array<i32>} : memref<32768xf32, #tpu.memory_space<vmem>>, vector<16xf32>,
        %mul3A_302 = arith.constant 8 : i32
        %mul3A_303 = arith.muli %scan3A_230, %mul3A_302 : i32
        %add3A_304 = arith.constant 6 : i32
        %add3A_305 = arith.addi %mul3A_303, %add3A_304 : i32
        %mul3A_306 = arith.constant 16 : i32
        %mul3A_307 = arith.muli %add3A_305, %mul3A_306 : i32
        %add3A_308 = arith.addi %mul3A_209, %mul3A_307 : i32
        %get3A_309 = arith.index_cast %add3A_308 : i32 to index
        %get3A_310 = tpu.vector_load %arg6[%get3A_309] {strides = array<i32>} : memref<65536xf32, #tpu.memory_space<vmem>>, vector<16xf32>,
        %add3A_311 = arith.addi %add3A_213, %mul3A_307 : i32
        %swap3A_312 = arith.index_cast %add3A_311 : i32 to index
        %swap3A_313 = tpu.vector_load %arg7[%swap3A_312] {strides = array<i32>} : memref<32768xf32, #tpu.memory_space<vmem>>, vector<16xf32>,
        tpu.vector_store %arg7[%swap3A_312], %get3A_310 {strides = array<i32>} : memref<32768xf32, #tpu.memory_space<vmem>>, vector<16xf32>,
        %mul3A_314 = arith.constant 8 : i32
        %mul3A_315 = arith.muli %scan3A_230, %mul3A_314 : i32
        %add3A_316 = arith.constant 7 : i32
        %add3A_317 = arith.addi %mul3A_315, %add3A_316 : i32
        %mul3A_318 = arith.constant 16 : i32
        %mul3A_319 = arith.muli %add3A_317, %mul3A_318 : i32
        %add3A_320 = arith.addi %mul3A_209, %mul3A_319 : i32
        %get3A_321 = arith.index_cast %add3A_320 : i32 to index
        %get3A_322 = tpu.vector_load %arg6[%get3A_321] {strides = array<i32>} : memref<65536xf32, #tpu.memory_space<vmem>>, vector<16xf32>,
        %add3A_323 = arith.addi %add3A_213, %mul3A_319 : i32
        %swap3A_324 = arith.index_cast %add3A_323 : i32 to index
        %swap3A_325 = tpu.vector_load %arg7[%swap3A_324] {strides = array<i32>} : memref<32768xf32, #tpu.memory_space<vmem>>, vector<16xf32>,
        tpu.vector_store %arg7[%swap3A_324], %get3A_322 {strides = array<i32>} : memref<32768xf32, #tpu.memory_space<vmem>>, vector<16xf32>,
      }
      %scan3A_219 = arith.constant 32 : i32
      %eq3A_220 = arith.constant 0 : i32
      %eq3A_221 = arith.cmpi eq, %rem3A_26, %eq3A_220 : i32
      %convert_element_type3A_222 = arith.extui %eq3A_221 : i1 to i32
      %cond3A_223 = arith.constant 0 : i32
      %cond3A_224 = arith.cmpi ne, %convert_element_type3A_222, %cond3A_223 : i32
      scf.if %cond3A_224 {
        %mul3A_230 = arith.constant 16384 : i32
        %mul3A_231 = arith.muli %scan3A_25, %mul3A_230 : i32
        %add3A_232 = arith.addi %mul3A_4, %mul3A_231 : i32
        %dma_start3A = arith.constant 0 : i32
        %dma_start3A_233 = tpu.memref_slice %arg7[%dma_start3A] : memref<32768xf32, #tpu.memory_space<vmem>> -> memref<16384xf32, #tpu.memory_space<vmem>>
        %dma_start3A_234 = tpu.memref_slice %arg4[%add3A_232] : memref<134217728xf32, #tpu.memory_space<hbm>> -> memref<16384xf32, #tpu.memory_space<hbm>>
        %dma_start3A_235 = tpu.memref_slice %arg4[%add3A_232] : memref<134217728xf32, #tpu.memory_space<hbm>> -> memref<16384xf32, #tpu.memory_space<hbm>>
        %dma_start3A_236 = arith.constant 0 : i32
        %dma_start3A_237 = tpu.memref_slice %arg7[%dma_start3A_236] : memref<32768xf32, #tpu.memory_space<vmem>> -> memref<16384xf32, #tpu.memory_space<vmem>>
        tpu.enqueue_dma source(%dma_start3A_237 : memref<16384xf32, #tpu.memory_space<vmem>>) target(%dma_start3A_235 : memref<16384xf32, #tpu.memory_space<hbm>>) target_semaphore(%arg8 : memref<!tpu.dma_semaphore, #tpu.memory_space<semaphore_mem>>)
      } else {
      }
      %eq3A_225 = arith.constant 1 : i32
      %eq3A_226 = arith.cmpi eq, %rem3A_26, %eq3A_225 : i32
      %convert_element_type3A_227 = arith.extui %eq3A_226 : i1 to i32
      %cond3A_228 = arith.constant 0 : i32
      %cond3A_229 = arith.cmpi ne, %convert_element_type3A_227, %cond3A_228 : i32
      scf.if %cond3A_229 {
        %mul3A_230 = arith.constant 16384 : i32
        %mul3A_231 = arith.muli %scan3A_25, %mul3A_230 : i32
        %add3A_232 = arith.addi %mul3A_4, %mul3A_231 : i32
        %dma_start3A = arith.constant 16384 : i32
        %dma_start3A_233 = tpu.memref_slice %arg7[%dma_start3A] : memref<32768xf32, #tpu.memory_space<vmem>> -> memref<16384xf32, #tpu.memory_space<vmem>>
        %dma_start3A_234 = tpu.memref_slice %arg4[%add3A_232] : memref<134217728xf32, #tpu.memory_space<hbm>> -> memref<16384xf32, #tpu.memory_space<hbm>>
        %dma_start3A_235 = tpu.memref_slice %arg4[%add3A_232] : memref<134217728xf32, #tpu.memory_space<hbm>> -> memref<16384xf32, #tpu.memory_space<hbm>>
        %dma_start3A_236 = arith.constant 16384 : i32
        %dma_start3A_237 = tpu.memref_slice %arg7[%dma_start3A_236] : memref<32768xf32, #tpu.memory_space<vmem>> -> memref<16384xf32, #tpu.memory_space<vmem>>
        tpu.enqueue_dma source(%dma_start3A_237 : memref<16384xf32, #tpu.memory_space<vmem>>) target(%dma_start3A_235 : memref<16384xf32, #tpu.memory_space<hbm>>) target_semaphore(%arg9 : memref<!tpu.dma_semaphore, #tpu.memory_space<semaphore_mem>>)
      } else {
      }
    }
    %scan3A_9 = arith.constant 256 : i32
    %add3A_10 = arith.constant 4161536 : i32
    %add3A_11 = arith.addi %mul3A_4, %add3A_10 : i32
    %dma_wait3A = arith.constant 0 : i32
    %dma_wait3A_12 = tpu.memref_slice %arg7[%dma_wait3A] : memref<32768xf32, #tpu.memory_space<vmem>> -> memref<16384xf32, #tpu.memory_space<vmem>>
    %dma_wait3A_13 = tpu.memref_slice %arg4[%add3A_11] : memref<134217728xf32, #tpu.memory_space<hbm>> -> memref<16384xf32, #tpu.memory_space<hbm>>
    %dma_wait3A_14 = tpu.memref_slice %arg4[%add3A_11] : memref<134217728xf32, #tpu.memory_space<hbm>> -> memref<16384xf32, #tpu.memory_space<hbm>>
    %dma_wait3A_15 = arith.constant 0 : i32
    %dma_wait3A_16 = tpu.memref_slice %arg7[%dma_wait3A_15] : memref<32768xf32, #tpu.memory_space<vmem>> -> memref<16384xf32, #tpu.memory_space<vmem>>
    tpu.wait_dma2 semaphore(%arg8 : memref<!tpu.dma_semaphore, #tpu.memory_space<semaphore_mem>>) src(%dma_wait3A_16 : memref<16384xf32, #tpu.memory_space<vmem>>) dst(%dma_wait3A_14 : memref<16384xf32, #tpu.memory_space<hbm>>)
    %add3A_17 = arith.constant 4177920 : i32
    %add3A_18 = arith.addi %mul3A_4, %add3A_17 : i32
    %dma_wait3A_19 = arith.constant 16384 : i32
    %dma_wait3A_20 = tpu.memref_slice %arg7[%dma_wait3A_19] : memref<32768xf32, #tpu.memory_space<vmem>> -> memref<16384xf32, #tpu.memory_space<vmem>>
    %dma_wait3A_21 = tpu.memref_slice %arg4[%add3A_18] : memref<134217728xf32, #tpu.memory_space<hbm>> -> memref<16384xf32, #tpu.memory_space<hbm>>
    %dma_wait3A_22 = tpu.memref_slice %arg4[%add3A_18] : memref<134217728xf32, #tpu.memory_space<hbm>> -> memref<16384xf32, #tpu.memory_space<hbm>>
    %dma_wait3A_23 = arith.constant 16384 : i32
    %dma_wait3A_24 = tpu.memref_slice %arg7[%dma_wait3A_23] : memref<32768xf32, #tpu.memory_space<vmem>> -> memref<16384xf32, #tpu.memory_space<vmem>>
    tpu.wait_dma2 semaphore(%arg9 : memref<!tpu.dma_semaphore, #tpu.memory_space<semaphore_mem>>) src(%dma_wait3A_24 : memref<16384xf32, #tpu.memory_space<vmem>>) dst(%dma_wait3A_22 : memref<16384xf32, #tpu.memory_space<hbm>>)
    return
  }
}

</mosaic_0001>

<sc_bundles>
// kernel: kernel.3.cloned.1.call-start
scs
__scs_entry_jumppad:
0x0: {  	(pc) =	sbr.rel $0x88, $3  }
0x1: {  	(tag) =	ssettag $0x0;
	lr =	simm.s32 $0x1  }
0x2: {  	[smem:$0x3F9F] =	sst lr;
	_ =	strace $0xD0000000  }
0x3: {  	_ = 	snop  }
0x4: {  	_ = 	snop  }
0x5: {  	_ = 	snop  }
0x6: {  	_ = 	snop  }
0x7: {  	_ = 	snop  }
__scs_overlays_trampoline_lowered:
0x8: {  	[smem:$0x3FAE] =	sst s0  }
0x9: {  	[smem:$0x3FAF] =	sst s1  }
0xa: {  	[smem:$0x3FB0] =	sst s2  }
0xb: {  	[smem:$0x3FB1] =	sst s3  }
0xc: {  	[smem:$0x3FB2] =	sst s4  }
0xd: {  	[smem:$0x3FB3] =	sst s5  }
0xe: {  	[smem:$0x3FB4] =	sst s6  }
0xf: {  	[smem:$0x3FB5] =	sst s7  }
0x10: {  	[smem:$0x3FB6] =	sst s8  }
0x11: {  	[smem:$0x3FB7] =	sst s9;
	s0 =	simm.s32 @!p0 $0x0  }
0x12: {  	s1 =	sld [smem:$0x3F9D];
	s0 =	simm.s32 @p0 $0x1  }
0x13: {  	[smem:$0x3FB8] =	sst s0;
	s0 =	simm.s32 @!p1 $0x0  }
0x14: {  	s2 =	sld [smem:$0x3F9C];
	s0 =	simm.s32 @p1 $0x1  }
0x15: {  	[smem:$0x3FB9] =	sst s0;
	s0 =	simm.s32 @!p2 $0x0  }
0x16: {  	s3 =	sld [smem:$0x3FDB];
	s0 =	simm.s32 @p2 $0x1  }
0x17: {  	s4 =	simm.s32 $0x1BF5;
	[smem:$0x3FBB] =	sst s0  }
0x18: {  	s0 =	sld [smem:$0x3F9E];
	_ =	swait.ge [sflag:s4], $0x0  }
0x19: {  	s7 =	sld [smem:$0x3F9F]  }
0x1a: {  	s8 =	sadd.s32 $0xFFFFE003, lr  }
0x1b: {  	s9 =	sadd.s32 $0xFFFFFEF7, lr;
	s5 =	simm.s32 $0xFFFFFFFF;
	p2 =	slt.u32 s8, $0xFFFFF086  }
0x1c: {  	p1 =	slt.u32 s9, $0xF7A;
	s5 =	simm.s32 @!p2 $0x0  }
0x1d: {  	s5 =	simm.s32 @p1 $0x1;
	p0 =	seq.s32 s7, s2  }
0x1e: {  	s7 =	smul.u32 @!p0 $0xF7A, s2;
	p2 =	seq.s32 @!p0 s5, $0x0  }
0x1f: {  	s9 =	smul.u32 $0xF7A, s1;
	s8 =	simm.s32 @!p0 $0x1BF5;
	p2 =	por !p2, p0  }
0x20: {  	[sflag:s8] =	ssyncset.s32 @!p0 $0xFFFFF086;
	s6 =	sadd.s32 @!p0 s3, s7;
	s7 =	simm.s32 @!p0 $0x108  }
0x21: {  	s3 =	sadd.s32 s3, s9;
	s6 =	sadd.s32 @!p0 $0x88, s6;
	s7 =	simm.s32 @p2 $0x1082  }
0x22: {  	[simem:s7], [sflag:s8] =	dma.local @!p0 [hbm:s6], $0xF7A  }
0x23: {  	s9 =	sor.u32 $0xD0000000, s2;
	s6 =	simm.s32 $0x108;
	_ =	swait.ge @!p0 [sflag:s8], $0x0  }
0x24: {  	s3 =	sadd.s32 $0x88, s3;
	s6 =	simm.s32 @!p1 $0x1082;
	[sflag:s4] =	ssyncset.s32 $0xFFFFF086  }
0x25: {  	[simem:s6], [sflag:s4] =	dma.local [hbm:s3], $0xF7A  }
0x26: {  	[smem:$0x3F9F] =	sst s1;
	(tag) =	ssettag s2;
	_ =	strace s9  }
0x27: {  	s1 =	sld [smem:$0x3FAF]  }
0x28: {  	s2 =	sld [smem:$0x3FB0]  }
0x29: {  	s4 =	sld [smem:$0x3FB2]  }
0x2a: {  	p0 =	seq.s32 s5, $0x0;
	s5 =	sld [smem:$0x3FB3]  }
0x2b: {  	s6 =	sld [smem:$0x3FB4]  }
0x2c: {  	s7 =	sld [smem:$0x3FB5]  }
0x2d: {  	s3 =	simm.s32 $0x108;
	s8 =	sld [smem:$0x3FB6]  }
0x2e: {  	s3 =	simm.s32 @!p0 $0x1082;
	s9 =	sld [smem:$0x3FB7]  }
0x2f: {  	lr =	sadd.s32 s0, s3;
	s0 =	sld [smem:$0x3FAE]  }
0x30: {  	s3 =	sld [smem:$0x3FB1]  }
0x31: {  	[smem:$0x3FBA] =	sst s10  }
0x32: {  	s10 =	sld [smem:$0x3FB8];
	_ =	sdelay $0x3  }
0x33: {  	p0 =	seq.s32 s10, $0x1;
	s10 =	sld [smem:$0x3FBA];
	_ =	sdelay $0x3  }
0x34: {  	[smem:$0x3FBA] =	sst s10  }
0x35: {  	s10 =	sld [smem:$0x3FB9];
	_ =	sdelay $0x3  }
0x36: {  	p1 =	seq.s32 s10, $0x1;
	s10 =	sld [smem:$0x3FBA];
	_ =	sdelay $0x3  }
0x37: {  	[smem:$0x3FBA] =	sst s10  }
0x38: {  	s10 =	sld [smem:$0x3FBB]  }
0x39: {  	_ = 	snop;
	(pc) =	sbr.ind lr, $3  }
0x3a: {  	_ = 	snop  }
0x3b: {  	_ = 	snop  }
0x3c: {  	p2 =	seq.s32 s10, $0x1;
	s10 =	sld [smem:$0x3FBA]  }
0x3d: {  	_ =	shalt  }
0x3e: {  	_ =	shalt  }
0x3f: {  	_ =	shalt  }
0x40: {  	_ =	shalt  }
0x41: {  	_ =	shalt  }
0x42: {  	_ =	shalt  }
0x43: {  	_ =	shalt  }
0x44: {  	_ =	shalt  }
0x45: {  	_ =	shalt  }
0x46: {  	_ =	shalt  }
0x47: {  	_ =	shalt  }
0x48: {  	_ =	shalt  }
0x49: {  	_ =	shalt  }
0x4a: {  	_ =	shalt  }
0x4b: {  	_ =	shalt  }
0x4c: {  	_ =	shalt  }
0x4d: {  	_ =	shalt  }
0x4e: {  	_ =	shalt  }
0x4f: {  	_ =	shalt  }
0x50: {  	_ =	shalt  }
0x51: {  	_ =	shalt  }
0x52: {  	_ =	shalt  }
0x53: {  	_ =	shalt  }
0x54: {  	_ =	shalt  }
0x55: {  	_ =	shalt  }
0x56: {  	_ =	shalt  }
0x57: {  	_ =	shalt  }
0x58: {  	_ =	shalt  }
0x59: {  	_ =	shalt  }
0x5a: {  	_ =	shalt  }
0x5b: {  	_ =	shalt  }
0x5c: {  	_ =	shalt  }
0x5d: {  	_ =	shalt  }
0x5e: {  	_ =	shalt  }
0x5f: {  	_ =	shalt  }
0x60: {  	_ =	shalt  }
0x61: {  	_ =	shalt  }
0x62: {  	_ =	shalt  }
0x63: {  	_ =	shalt  }
0x64: {  	_ =	shalt  }
0x65: {  	_ =	shalt  }
0x66: {  	_ =	shalt  }
0x67: {  	_ =	shalt  }
0x68: {  	_ =	shalt  }
0x69: {  	_ =	shalt  }
0x6a: {  	_ =	shalt  }
0x6b: {  	_ =	shalt  }
0x6c: {  	_ =	shalt  }
0x6d: {  	_ =	shalt  }
0x6e: {  	_ =	shalt  }
0x6f: {  	_ =	shalt  }
0x70: {  	_ =	shalt  }
0x71: {  	_ =	shalt  }
0x72: {  	_ =	shalt  }
0x73: {  	_ =	shalt  }
0x74: {  	_ =	shalt  }
0x75: {  	_ =	shalt  }
0x76: {  	_ =	shalt  }
0x77: {  	_ =	shalt  }
0x78: {  	_ =	shalt  }
0x79: {  	_ =	shalt  }
0x7a: {  	_ =	shalt  }
0x7b: {  	_ =	shalt  }
0x7c: {  	_ =	shalt  }
0x7d: {  	_ =	shalt  }
0x7e: {  	_ =	shalt  }
0x7f: {  	_ =	shalt  }
0x80: {  	_ =	shalt  }
0x81: {  	_ =	shalt  }
0x82: {  	_ =	shalt  }
0x83: {  	_ =	shalt  }
0x84: {  	_ =	shalt  }
0x85: {  	_ =	shalt  }
0x86: {  	_ =	shalt  }
0x87: {  	_ =	shalt  }
.Lfunc_end0:
.L_simem_size_0:
called_computation_lowered:
.L_overlay_start_0:
0x88: {  	s2 =	sld [smem:$0x3FD9]  }
0x89: {  	s3 =	sld [smem:$0x3FFE];
	_ =	sdelay $0x1  }
0x8a: {  	s1 =	srdreg.scid  }
0x8b: {  	s0 =	sand.u32 $0x1, s1  }
0x8c: {  	s17 =	sshll.u32 s0, $0xA;
	s2 =	sadd.s32 s3, s2  }
0x8d: {  	s2 =	sadd.s32 s2, s17  }
0x8e: {  	[smem:$0x3FC6] =	sst s2  }
0x8f: {  	_ = 	snop  }
0x90: {  	s2 =	sld [smem:$0x3FD0];
	(tm) =	ssettm $0x1  }
0x91: {  	s18 =	sld [smem:$0x3FFB];
	_ =	sdelay $0x3  }
0x92: {  	_ =	strace s18  }
0x93: {  	s3 =	sld [smem:$0x3FFC];
	_ =	sdelay $0x3  }
0x94: {  	_ =	strace s3  }
0x95: {  	s3 =	sld [smem:$0x3FFD];
	_ =	sdelay $0x3  }
0x96: {  	_ =	strace s3  }
0x97: {  	_ =	strace $0x8FFFFFFF  }
0x98: {  	s19 =	sld [smem:$0x3FDB];
	_ =	sdelay $0x1  }
0x99: {  	s4 =	simm.s32 $_scs_section_size  }
0x9a: {  	s5 =	simm.s32 $_size__tile_overlayer_lowered;
	s6 =	simm.s32 $_tile_overlayer_lowered  }
0x9b: {  	s22 =	simm.s32 $0x1BFF;
	s21 =	sshll.u32 s6, $0x1;
	s3 =	sadd.s32 s4, s19  }
0x9c: {  	s7 =	simm.s32 $0x0;
	s20 =	sshll.u32 s5, $0x1;
	s5 =	sadd.s32 s21, s3  }
0x9d: {  	[timem:s7], [sflag:s22] =	dma.local [hbm:s5], s20  }
0x9e: {  	_ =	swait.ge [sflag:s22], s20  }
0x9f: {  	s4 =	ssub.s32 $0x0, s20;
	[sflag:s22] =	ssyncset.done $0x0  }
0xa0: {  	[sflag:s22] =	ssyncadd.s32 s4;
	_ =	sdelay $0x1  }
0xa1: {  	s23 =	simm.s32 $0x1B8B  }
0xa2: {  	_ =	swait.ge [sflag:s23], $0x1  }
0xa3: {  	[sflag:s23] =	ssyncset.done $0x0  }
0xa4: {  	s25 =	simm.s32 $0x1B8E;
	s24 =	sld [smem:$0x3FFE];
	[sflag:s23] =	ssyncadd.s32 $0xFFFFFFFF  }
0xa5: {  	s26 =	simm.s32 $execute0_lowered;
	[smem:$0x3FD2] =	sst s25  }
0xa6: {  	s5 =	sshll.u32 s26, $0x1;
	_ =	strace $0x80000046;
	[dreg:$0x1] =	wrdreg $0xFFFFFFFF  }
0xa7: {  	s28 =	simm.s32 $_size_execute0_lowered;
	s3 =	sadd.s32 s3, s5;
	[dreg:$0x0] =	wrdreg $0x0  }
0xa8: {  	s5 =	sshll.u32 s28, $0x1;
	[dreg:$0x2] =	wrdreg s3  }
0xa9: {  	[dreg:$0x3] =	wrdreg s5  }
0xaa: {  	[dreg:$0x4] =	wrdreg $0xC0  }
0xab: {  	_ =	task [dreg:s7], $0x5FFFF  }
0xac: {  	[dreg:$0x1] =	wrdreg $0xFFFFFFFF  }
0xad: {  	[dreg:$0x0] =	wrdreg $0x60  }
0xae: {  	[dreg:$0x2] =	wrdreg s24  }
0xaf: {  	[dreg:$0x3] =	wrdreg s2  }
0xb0: {  	[dreg:$0x4] =	wrdreg $0x9  }
0xb1: {  	_ =	task.clear_ibuf [dreg:s7], $0x5FFFF;
	_ =	strace $0x90000046  }
0xb2: {  	s29 =	simm.s32 $0x9;
	_ =	strace $0x80000048  }
0xb3: {  	_ =	swait.ge [sflag:s29], $0x1  }
0xb4: {  	[sflag:s29] =	ssyncadd.s32 $0xFFFFFFFF  }
0xb5: {  	_ =	strace $0x90000048  }
0xb6: {  	_ =	sfence  }
0xb7: {  	s30 =	sld [smem:$0x0];
	_ =	sdelay $0x2  }
0xb8: {  	s31 =	sshll.u32 s1, $0xD;
	s1 =	sshrl.u32 s1, $0x2  }
0xb9: {  	s3 =	sand.u32 $0x4000, s31;
	s1 =	sadd.s32 s1, s30  }
0xba: {  	s0 =	sor.u32 s3, s0;
	s1 =	sshll.u32 s1, $0x11  }
0xbb: {  	s0 =	sor.u32 s1, s0  }
0xbc: {  	s0 =	sadd.s32 $0x8F2B, s0  }
0xbd: {  	[sflag:s0] =	ssyncadd.remote.s32 $0x1  }
0xbe: {  	_ =	sfence.sel $0xFFFF  }
0xbf: {  	[dreg:$0x0] =	wrdreg $0xFFFFFFFF;
	(pc) =	sbr.abs _section_cstart, $3  }
0xc0: {  	[dreg:$0x1] =	wrdreg $0xFFFFFFFF  }
0xc1: {  	_ =	task.clear_ibuf [dreg:s7], $0x2FFFF;
	_ =	strace $0x9FFFFFFF  }
0xc2: {  	(tm) =	ssettm $0x7FFFFFFF  }
0xc3: {  	_ =	shalt  }
tec
execute0_lowered:
.L_overlay_start_1:
0x0: {  	(tag) =	ssettag $0x1  }
0x1: {  	s4 =	rddreg [dreg:$0x0]  }
0x2: {  	s2 =	rddreg [dreg:$0x1]  }
0x3: {  	s0 =	rddreg [dreg:$0x2]  }
0x4: {  	s3 =	simm.s32 $0x0;
	s1 =	stileid.u32;
	s5 =	srdreg.scid  }
0x5: {  	s10 =	simm.s32 $0x3;
	s11 =	simm.s32 $0x1;
	s12 =	simm.s32 $0x2  }
0x6: {  	s13 =	simm.s32 $0x0;
	[smem:$0x7FF] =	sst s3;
	s5 =	sand.u32 $0x1, s5  }
0x7: {  	s6 =	sshll.u32 s1, $0x1;
	s7 =	sshll.u32 s1, $0x8;
	_ =	strace $0x80000047  }
0x8: {  	s6 =	sor.u32 s5, s6;
	s7 =	sand.u32 $0xC00, s7;
	s5 =	ssub.s32 $0x2, s5  }
0x9: {  	s8 =	sshll.u32 s6, $0x4;
	s7 =	sadd.s32 s7, s4;
	s9 =	sshrl.u32 s5, $0x1  }
0xa: {  	s4 =	sadd.s32 $0x1400, s4;
	s8 =	sand.u32 $0x70, s8;
	s9 =	ssub.s32 s5, s9  }
0xb: {  	s5 =	sshll.u32 s6, $0x16;
	s7 =	sadd.s32 s8, s7;
	s8 =	simm.s32 $0x80  }
0xc: {  	v0 =	vlaneseq.u32;
	s6 =	sadd.s32 $0x400, s7;
	s7 =	smax.u32 s9, $0x1;
	s9 =	simm.s32 $0x400  }
.LBB2_1:
0xd: {  	[tilespmem:s3], [sflag:$0x3] =	stream.strided.gather [hbm4b:s6+s8], $0x400, s9, s8, $0x38;
	[tilespmem:$0x18400] =	vst v63  }
0xe: {  	_ =	swait.ge [sflag:s10], $0x400  }
0xf: {  	[sflag:s10] =	ssyncset.done $0x0  }
0x10: {  	[sflag:s10] =	ssyncadd.s32 $0xFFFFFC00  }
0x11: {  	[tilespmem:s9], [sflag:$0x3] =	stream.linear.gather [hbm4b:s2+s3], $0x10000, $0x38;
	[tilespmem:$0x18400] =	vst v63  }
0x12: {  	_ =	swait.ge [sflag:s10], $0x10000  }
0x13: {  	[sflag:s10] =	ssyncset.done $0x0  }
0x14: {  	p0 =	por $0x0, $0x0;
	s14 =	simm.s32 $0x0;
	[sflag:s10] =	ssyncadd.s32 $0xFFFF0000  }
.LBB2_2:
0x15: {  	s15 =	sand.u32 $0x1, s14;
	p2 =	slt.u32 s14, $0x2  }
0x16: {  	p1 =	sne.s32 @!p2 s15, $0x0  }
0x17: {  	p3 =	por p1, p2  }
0x18: {  	s16 =	simm.s32 @!p3 $0x1  }
0x19: {  	p1 =	seq.s32 s15, $0x1;
	_ =	swait.ge @!p3 [sflag:s16], $0x4000  }
0x1a: {  	p2 =	por !p1, p2;
	[sflag:s16] =	ssyncset.done @!p3 $0x0  }
0x1b: {  	[sflag:s16] =	ssyncadd.s32 @!p3 $0xFFFFC000;
	s16 =	simm.s32 @!p2 $0x2  }
0x1c: {  	_ =	swait.ge @!p2 [sflag:s16], $0x4000  }
0x1d: {  	s17 =	sshll.u32 s14, $0x2;
	[sflag:s16] =	ssyncset.done @!p2 $0x0  }
0x1e: {  	s30 =	sand.u32 $0x3F0, s17;
	[sflag:s16] =	ssyncadd.s32 @!p2 $0xFFFFC000  }
0x1f: {  	v1 =	vld [tilespmem:s30+$0x0];
	_ =	sdelay $0x1  }
0x20: {  	s16 =	sand.u32 $0xC, s17  }
0x21: {  	v2 =	vmov s16  }
0x22: {  	vm0 =	veq.s32 v2, v0  }
0x23: {  	v2 =	vnsel vm0, $0x0, v1  }
0x24: {  	(xrf0) =	vadd.scan.msk.s32 $0xffff, v2;
	_ =	sdelay $0x5  }
0x25: {  	v2, _, _ =	vpop (xrf0)  }
0x26: {  	(v2sf) =	vpush v2, $0xF;
	_ =	sdelay $0xe  }
0x27: {  	s31 =	spop (v2sf)  }
0x28: {  	s17 =	sshll.u32 s31, $0xE  }
0x29: {  	s17 =	sshra.s32 s17, $0x2  }
0x2a: {  	s17 =	sor.u32 $0x440, s17  }
0x2b: {  	v2 =	vmov s17  }
0x2c: {  	s17 =	simm.s32 $0x1  }
0x2d: {  	s17 =	simm.s32 @!p0 $0x0  }
0x2e: {  	s19 =	sshll.u32 s17, $0xE  }
0x2f: {  	s20 =	simm.s32 $0x0;
	s17 =	sor.u32 $0x10440, s19  }
0x30: {  	v3 =	vmov s17;
	v4 =	vld.idx.msk [tilespmem:v2+s20+$0xFFFFFFC0 ss:$0x1], $0xffff;
	_ =	sdelay $0x4  }
0x31: {  	[tilespmem:v3+s20+$0xFFFFFFC0 ss:$0x1] =	vst.idx.msk $0xffff, v4  }
0x32: {  	v4 =	vld.idx.msk [tilespmem:v2+s20+$0xFFFFFFD0 ss:$0x1], $0xffff;
	_ =	sdelay $0x4  }
0x33: {  	[tilespmem:v3+s20+$0xFFFFFFD0 ss:$0x1] =	vst.idx.msk $0xffff, v4  }
0x34: {  	v4 =	vld.idx.msk [tilespmem:v2+s20+$0xFFFFFFE0 ss:$0x1], $0xffff;
	_ =	sdelay $0x4  }
0x35: {  	[tilespmem:v3+s20+$0xFFFFFFE0 ss:$0x1] =	vst.idx.msk $0xffff, v4  }
0x36: {  	v4 =	vld.idx.msk [tilespmem:v2+s20+$0xFFFFFFF0 ss:$0x1], $0xffff;
	_ =	sdelay $0x4  }
0x37: {  	[tilespmem:v3+s20+$0xFFFFFFF0 ss:$0x1] =	vst.idx.msk $0xffff, v4  }
0x38: {  	v4 =	vld.idx.msk [tilespmem:v2+s20+$0x0 ss:$0x1], $0xffff;
	_ =	sdelay $0x4  }
0x39: {  	[tilespmem:v3+s20+$0x0 ss:$0x1] =	vst.idx.msk $0xffff, v4  }
0x3a: {  	v4 =	vld.idx.msk [tilespmem:v2+s20+$0x10 ss:$0x1], $0xffff;
	_ =	sdelay $0x4  }
0x3b: {  	[tilespmem:v3+s20+$0x10 ss:$0x1] =	vst.idx.msk $0xffff, v4  }
0x3c: {  	v4 =	vld.idx.msk [tilespmem:v2+s20+$0x20 ss:$0x1], $0xffff;
	_ =	sdelay $0x4  }
0x3d: {  	s21 =	simm.s32 $0x200;
	s22 =	simm.s32 $0x400;
	[tilespmem:v3+s20+$0x20 ss:$0x1] =	vst.idx.msk $0xffff, v4  }
0x3e: {  	s18 =	sor.u32 $0x12470, s19;
	s17 =	sor.u32 $0x13470, s19;
	s19 =	sor.u32 $0x11470, s19;
	v4 =	vld.idx.msk [tilespmem:v2+s20+$0x30 ss:$0x1], $0xffff  }
.LBB2_3:
0x3f: {  	_ =	sdelay $0x2  }
0x40: {  	p2 =	sne.s32 s22, $0x3E00  }
0x41: {  	[tilespmem:v3+s20+$0x30 ss:$0x1] =	vst.idx.msk $0xffff, v4;
	s20 =	sshra.s32 s21, $0x2;
	s21 =	smov.u32 s22;
	s22 =	sadd.s32 $0x200, s22  }
0x42: {  	v4 =	vld.idx.msk [tilespmem:v2+s20+$0xFFFFFFC0 ss:$0x1], $0xffff;
	_ =	sdelay $0x5  }
0x43: {  	[tilespmem:v3+s20+$0xFFFFFFC0 ss:$0x1] =	vst.idx.msk $0xffff, v4  }
0x44: {  	v4 =	vld.idx.msk [tilespmem:v2+s20+$0xFFFFFFD0 ss:$0x1], $0xffff;
	_ =	sdelay $0x5  }
0x45: {  	[tilespmem:v3+s20+$0xFFFFFFD0 ss:$0x1] =	vst.idx.msk $0xffff, v4  }
0x46: {  	v4 =	vld.idx.msk [tilespmem:v2+s20+$0xFFFFFFE0 ss:$0x1], $0xffff;
	_ =	sdelay $0x5  }
0x47: {  	[tilespmem:v3+s20+$0xFFFFFFE0 ss:$0x1] =	vst.idx.msk $0xffff, v4  }
0x48: {  	v4 =	vld.idx.msk [tilespmem:v2+s20+$0xFFFFFFF0 ss:$0x1], $0xffff;
	_ =	sdelay $0x5  }
0x49: {  	[tilespmem:v3+s20+$0xFFFFFFF0 ss:$0x1] =	vst.idx.msk $0xffff, v4  }
0x4a: {  	v4 =	vld.idx.msk [tilespmem:v2+s20+$0x0 ss:$0x1], $0xffff;
	_ =	sdelay $0x5  }
0x4b: {  	[tilespmem:v3+s20+$0x0 ss:$0x1] =	vst.idx.msk $0xffff, v4  }
0x4c: {  	v4 =	vld.idx.msk [tilespmem:v2+s20+$0x10 ss:$0x1], $0xffff;
	_ =	sdelay $0x5  }
0x4d: {  	[tilespmem:v3+s20+$0x10 ss:$0x1] =	vst.idx.msk $0xffff, v4  }
0x4e: {  	v4 =	vld.idx.msk [tilespmem:v2+s20+$0x20 ss:$0x1], $0xffff;
	_ =	sdelay $0x2  }
.Ltmp0:
0x4f: {  	(pc) =	sbr.rel @p2 .LBB2_3-.Ltmp0, $3  }
0x50: {  	_ =	sdelay $0x1  }
0x51: {  	[tilespmem:v3+s20+$0x20 ss:$0x1] =	vst.idx.msk $0xffff, v4  }
0x52: {  	v4 =	vld.idx.msk [tilespmem:v2+s20+$0x30 ss:$0x1], $0xffff  }
0x53: {  	_ =	sdelay $0x3  }
0x54: {  	s21 =	sshra.s32 s21, $0x2;
	[tilespmem:v3+s20+$0x30 ss:$0x1] =	vst.idx.msk $0xffff, v4  }
0x55: {  	v4 =	vld.idx.msk [tilespmem:v2+s21+$0xFFFFFFC0 ss:$0x1], $0xffff;
	_ =	sdelay $0x4  }
0x56: {  	[tilespmem:v3+s21+$0xFFFFFFC0 ss:$0x1] =	vst.idx.msk $0xffff, v4  }
0x57: {  	v4 =	vld.idx.msk [tilespmem:v2+s21+$0xFFFFFFD0 ss:$0x1], $0xffff;
	_ =	sdelay $0x4  }
0x58: {  	[tilespmem:v3+s21+$0xFFFFFFD0 ss:$0x1] =	vst.idx.msk $0xffff, v4  }
0x59: {  	v4 =	vld.idx.msk [tilespmem:v2+s21+$0xFFFFFFE0 ss:$0x1], $0xffff  }
0x5a: {  	s30 =	sor.u32 $0x1, s16  }
0x5b: {  	v5 =	vmov s30  }
0x5c: {  	vm0 =	veq.s32 v5, v0  }
0x5d: {  	v5 =	vnsel vm0, $0x0, v1  }
0x5e: {  	(xrf0) =	vadd.scan.msk.s32 $0xffff, v5;
	[tilespmem:v3+s21+$0xFFFFFFE0 ss:$0x1] =	vst.idx.msk $0xffff, v4  }
0x5f: {  	v4 =	vld.idx.msk [tilespmem:v2+s21+$0xFFFFFFF0 ss:$0x1], $0xffff;
	_ =	sdelay $0x4  }
0x60: {  	[tilespmem:v3+s21+$0xFFFFFFF0 ss:$0x1] =	vst.idx.msk $0xffff, v4;
	v4, _, _ =	vpop (xrf0)  }
0x61: {  	(v2sf) =	vpush v4, $0xF;
	v4 =	vld.idx.msk [tilespmem:v2+s21+$0x0 ss:$0x1], $0xffff;
	_ =	sdelay $0x4  }
0x62: {  	[tilespmem:v3+s21+$0x0 ss:$0x1] =	vst.idx.msk $0xffff, v4  }
0x63: {  	v4 =	vld.idx.msk [tilespmem:v2+s21+$0x10 ss:$0x1], $0xffff;
	_ =	sdelay $0x4  }
0x64: {  	[tilespmem:v3+s21+$0x10 ss:$0x1] =	vst.idx.msk $0xffff, v4  }
0x65: {  	v4 =	vld.idx.msk [tilespmem:v2+s21+$0x20 ss:$0x1], $0xffff;
	_ =	sdelay $0x2  }
0x66: {  	s31 =	spop (v2sf)  }
0x67: {  	s20 =	sshll.u32 s31, $0xE  }
0x68: {  	[tilespmem:v3+s21+$0x20 ss:$0x1] =	vst.idx.msk $0xffff, v4;
	s20 =	sshra.s32 s20, $0x2  }
0x69: {  	v4 =	vld.idx.msk [tilespmem:v2+s21+$0x30 ss:$0x1], $0xffff;
	s20 =	sor.u32 $0x440, s20  }
0x6a: {  	v2 =	vmov s20;
	_ =	sdelay $0x3  }
0x6b: {  	s20 =	simm.s32 $0x0;
	[tilespmem:v3+s21+$0x30 ss:$0x1] =	vst.idx.msk $0xffff, v4  }
0x6c: {  	v3 =	vmov s19;
	v4 =	vld.idx.msk [tilespmem:v2+s20+$0xFFFFFFC0 ss:$0x1], $0xffff;
	_ =	sdelay $0x4  }
0x6d: {  	[tilespmem:v3+s20+$0xFFFFFF90 ss:$0x1] =	vst.idx.msk $0xffff, v4  }
0x6e: {  	v4 =	vld.idx.msk [tilespmem:v2+s20+$0xFFFFFFD0 ss:$0x1], $0xffff;
	_ =	sdelay $0x4  }
0x6f: {  	[tilespmem:v3+s20+$0xFFFFFFA0 ss:$0x1] =	vst.idx.msk $0xffff, v4  }
0x70: {  	v4 =	vld.idx.msk [tilespmem:v2+s20+$0xFFFFFFE0 ss:$0x1], $0xffff;
	_ =	sdelay $0x4  }
0x71: {  	[tilespmem:v3+s20+$0xFFFFFFB0 ss:$0x1] =	vst.idx.msk $0xffff, v4  }
0x72: {  	v4 =	vld.idx.msk [tilespmem:v2+s20+$0xFFFFFFF0 ss:$0x1], $0xffff;
	_ =	sdelay $0x4  }
0x73: {  	[tilespmem:v3+s20+$0xFFFFFFC0 ss:$0x1] =	vst.idx.msk $0xffff, v4  }
0x74: {  	v4 =	vld.idx.msk [tilespmem:v2+s20+$0x0 ss:$0x1], $0xffff;
	_ =	sdelay $0x4  }
0x75: {  	[tilespmem:v3+s20+$0xFFFFFFD0 ss:$0x1] =	vst.idx.msk $0xffff, v4  }
0x76: {  	v4 =	vld.idx.msk [tilespmem:v2+s20+$0x10 ss:$0x1], $0xffff;
	_ =	sdelay $0x4  }
0x77: {  	[tilespmem:v3+s20+$0xFFFFFFE0 ss:$0x1] =	vst.idx.msk $0xffff, v4  }
0x78: {  	v4 =	vld.idx.msk [tilespmem:v2+s20+$0x20 ss:$0x1], $0xffff;
	_ =	sdelay $0x4  }
0x79: {  	[tilespmem:v3+s20+$0xFFFFFFF0 ss:$0x1] =	vst.idx.msk $0xffff, v4  }
0x7a: {  	s19 =	simm.s32 $0x200;
	s21 =	simm.s32 $0x400;
	v4 =	vld.idx.msk [tilespmem:v2+s20+$0x30 ss:$0x1], $0xffff  }
.LBB2_5:
0x7b: {  	_ =	sdelay $0x2  }
0x7c: {  	p2 =	sne.s32 s21, $0x3E00  }
0x7d: {  	[tilespmem:v3+s20+$0x0 ss:$0x1] =	vst.idx.msk $0xffff, v4;
	s20 =	sshra.s32 s19, $0x2;
	s19 =	smov.u32 s21;
	s21 =	sadd.s32 $0x200, s21  }
0x7e: {  	v4 =	vld.idx.msk [tilespmem:v2+s20+$0xFFFFFFC0 ss:$0x1], $0xffff;
	_ =	sdelay $0x5  }
0x7f: {  	[tilespmem:v3+s20+$0xFFFFFF90 ss:$0x1] =	vst.idx.msk $0xffff, v4  }
0x80: {  	v4 =	vld.idx.msk [tilespmem:v2+s20+$0xFFFFFFD0 ss:$0x1], $0xffff;
	_ =	sdelay $0x5  }
0x81: {  	[tilespmem:v3+s20+$0xFFFFFFA0 ss:$0x1] =	vst.idx.msk $0xffff, v4  }
0x82: {  	v4 =	vld.idx.msk [tilespmem:v2+s20+$0xFFFFFFE0 ss:$0x1], $0xffff;
	_ =	sdelay $0x5  }
0x83: {  	[tilespmem:v3+s20+$0xFFFFFFB0 ss:$0x1] =	vst.idx.msk $0xffff, v4  }
0x84: {  	v4 =	vld.idx.msk [tilespmem:v2+s20+$0xFFFFFFF0 ss:$0x1], $0xffff;
	_ =	sdelay $0x5  }
0x85: {  	[tilespmem:v3+s20+$0xFFFFFFC0 ss:$0x1] =	vst.idx.msk $0xffff, v4  }
0x86: {  	v4 =	vld.idx.msk [tilespmem:v2+s20+$0x0 ss:$0x1], $0xffff;
	_ =	sdelay $0x5  }
0x87: {  	[tilespmem:v3+s20+$0xFFFFFFD0 ss:$0x1] =	vst.idx.msk $0xffff, v4  }
0x88: {  	v4 =	vld.idx.msk [tilespmem:v2+s20+$0x10 ss:$0x1], $0xffff;
	_ =	sdelay $0x5  }
0x89: {  	[tilespmem:v3+s20+$0xFFFFFFE0 ss:$0x1] =	vst.idx.msk $0xffff, v4  }
0x8a: {  	v4 =	vld.idx.msk [tilespmem:v2+s20+$0x20 ss:$0x1], $0xffff;
	_ =	sdelay $0x2  }
.Ltmp1:
0x8b: {  	(pc) =	sbr.rel @p2 .LBB2_5-.Ltmp1, $3  }
0x8c: {  	_ =	sdelay $0x1  }
0x8d: {  	[tilespmem:v3+s20+$0xFFFFFFF0 ss:$0x1] =	vst.idx.msk $0xffff, v4  }
0x8e: {  	v4 =	vld.idx.msk [tilespmem:v2+s20+$0x30 ss:$0x1], $0xffff  }
0x8f: {  	_ =	sdelay $0x3  }
0x90: {  	s19 =	sshra.s32 s19, $0x2;
	[tilespmem:v3+s20+$0x0 ss:$0x1] =	vst.idx.msk $0xffff, v4  }
0x91: {  	v4 =	vld.idx.msk [tilespmem:v2+s19+$0xFFFFFFC0 ss:$0x1], $0xffff;
	_ =	sdelay $0x4  }
0x92: {  	[tilespmem:v3+s19+$0xFFFFFF90 ss:$0x1] =	vst.idx.msk $0xffff, v4  }
0x93: {  	v4 =	vld.idx.msk [tilespmem:v2+s19+$0xFFFFFFD0 ss:$0x1], $0xffff;
	_ =	sdelay $0x4  }
0x94: {  	[tilespmem:v3+s19+$0xFFFFFFA0 ss:$0x1] =	vst.idx.msk $0xffff, v4  }
0x95: {  	v4 =	vld.idx.msk [tilespmem:v2+s19+$0xFFFFFFE0 ss:$0x1], $0xffff  }
0x96: {  	s30 =	sor.u32 $0x2, s16  }
0x97: {  	v5 =	vmov s30  }
0x98: {  	vm0 =	veq.s32 v5, v0  }
0x99: {  	v5 =	vnsel vm0, $0x0, v1  }
0x9a: {  	(xrf0) =	vadd.scan.msk.s32 $0xffff, v5;
	[tilespmem:v3+s19+$0xFFFFFFB0 ss:$0x1] =	vst.idx.msk $0xffff, v4  }
0x9b: {  	v4 =	vld.idx.msk [tilespmem:v2+s19+$0xFFFFFFF0 ss:$0x1], $0xffff;
	_ =	sdelay $0x4  }
0x9c: {  	[tilespmem:v3+s19+$0xFFFFFFC0 ss:$0x1] =	vst.idx.msk $0xffff, v4;
	v4, _, _ =	vpop (xrf0)  }
0x9d: {  	(v2sf) =	vpush v4, $0xF;
	v4 =	vld.idx.msk [tilespmem:v2+s19+$0x0 ss:$0x1], $0xffff;
	_ =	sdelay $0x4  }
0x9e: {  	[tilespmem:v3+s19+$0xFFFFFFD0 ss:$0x1] =	vst.idx.msk $0xffff, v4  }
0x9f: {  	v4 =	vld.idx.msk [tilespmem:v2+s19+$0x10 ss:$0x1], $0xffff;
	_ =	sdelay $0x4  }
0xa0: {  	[tilespmem:v3+s19+$0xFFFFFFE0 ss:$0x1] =	vst.idx.msk $0xffff, v4  }
0xa1: {  	v4 =	vld.idx.msk [tilespmem:v2+s19+$0x20 ss:$0x1], $0xffff;
	_ =	sdelay $0x2  }
0xa2: {  	s31 =	spop (v2sf)  }
0xa3: {  	s20 =	sshll.u32 s31, $0xE  }
0xa4: {  	[tilespmem:v3+s19+$0xFFFFFFF0 ss:$0x1] =	vst.idx.msk $0xffff, v4;
	s20 =	sshra.s32 s20, $0x2  }
0xa5: {  	v4 =	vld.idx.msk [tilespmem:v2+s19+$0x30 ss:$0x1], $0xffff;
	s20 =	sor.u32 $0x440, s20  }
0xa6: {  	v2 =	vmov s20;
	_ =	sdelay $0x3  }
0xa7: {  	[tilespmem:v3+s19+$0x0 ss:$0x1] =	vst.idx.msk $0xffff, v4;
	s19 =	simm.s32 $0x0  }
0xa8: {  	v3 =	vmov s18;
	v4 =	vld.idx.msk [tilespmem:v2+s19+$0xFFFFFFC0 ss:$0x1], $0xffff;
	_ =	sdelay $0x4  }
0xa9: {  	[tilespmem:v3+s19+$0xFFFFFF90 ss:$0x1] =	vst.idx.msk $0xffff, v4  }
0xaa: {  	v4 =	vld.idx.msk [tilespmem:v2+s19+$0xFFFFFFD0 ss:$0x1], $0xffff;
	_ =	sdelay $0x4  }
0xab: {  	[tilespmem:v3+s19+$0xFFFFFFA0 ss:$0x1] =	vst.idx.msk $0xffff, v4  }
0xac: {  	v4 =	vld.idx.msk [tilespmem:v2+s19+$0xFFFFFFE0 ss:$0x1], $0xffff;
	_ =	sdelay $0x4  }
0xad: {  	[tilespmem:v3+s19+$0xFFFFFFB0 ss:$0x1] =	vst.idx.msk $0xffff, v4  }
0xae: {  	v4 =	vld.idx.msk [tilespmem:v2+s19+$0xFFFFFFF0 ss:$0x1], $0xffff;
	_ =	sdelay $0x4  }
0xaf: {  	[tilespmem:v3+s19+$0xFFFFFFC0 ss:$0x1] =	vst.idx.msk $0xffff, v4  }
0xb0: {  	v4 =	vld.idx.msk [tilespmem:v2+s19+$0x0 ss:$0x1], $0xffff;
	_ =	sdelay $0x4  }
0xb1: {  	[tilespmem:v3+s19+$0xFFFFFFD0 ss:$0x1] =	vst.idx.msk $0xffff, v4  }
0xb2: {  	v4 =	vld.idx.msk [tilespmem:v2+s19+$0x10 ss:$0x1], $0xffff;
	_ =	sdelay $0x4  }
0xb3: {  	[tilespmem:v3+s19+$0xFFFFFFE0 ss:$0x1] =	vst.idx.msk $0xffff, v4  }
0xb4: {  	v4 =	vld.idx.msk [tilespmem:v2+s19+$0x20 ss:$0x1], $0xffff;
	_ =	sdelay $0x4  }
0xb5: {  	[tilespmem:v3+s19+$0xFFFFFFF0 ss:$0x1] =	vst.idx.msk $0xffff, v4  }
0xb6: {  	s20 =	simm.s32 $0x400;
	s18 =	simm.s32 $0x200;
	v4 =	vld.idx.msk [tilespmem:v2+s19+$0x30 ss:$0x1], $0xffff  }
.LBB2_7:
0xb7: {  	_ =	sdelay $0x2  }
0xb8: {  	p2 =	sne.s32 s20, $0x3E00  }
0xb9: {  	[tilespmem:v3+s19+$0x0 ss:$0x1] =	vst.idx.msk $0xffff, v4;
	s19 =	sshra.s32 s18, $0x2;
	s18 =	smov.u32 s20;
	s20 =	sadd.s32 $0x200, s20  }
0xba: {  	v4 =	vld.idx.msk [tilespmem:v2+s19+$0xFFFFFFC0 ss:$0x1], $0xffff;
	_ =	sdelay $0x5  }
0xbb: {  	[tilespmem:v3+s19+$0xFFFFFF90 ss:$0x1] =	vst.idx.msk $0xffff, v4  }
0xbc: {  	v4 =	vld.idx.msk [tilespmem:v2+s19+$0xFFFFFFD0 ss:$0x1], $0xffff;
	_ =	sdelay $0x5  }
0xbd: {  	[tilespmem:v3+s19+$0xFFFFFFA0 ss:$0x1] =	vst.idx.msk $0xffff, v4  }
0xbe: {  	v4 =	vld.idx.msk [tilespmem:v2+s19+$0xFFFFFFE0 ss:$0x1], $0xffff;
	_ =	sdelay $0x5  }
0xbf: {  	[tilespmem:v3+s19+$0xFFFFFFB0 ss:$0x1] =	vst.idx.msk $0xffff, v4  }
0xc0: {  	v4 =	vld.idx.msk [tilespmem:v2+s19+$0xFFFFFFF0 ss:$0x1], $0xffff;
	_ =	sdelay $0x5  }
0xc1: {  	[tilespmem:v3+s19+$0xFFFFFFC0 ss:$0x1] =	vst.idx.msk $0xffff, v4  }
0xc2: {  	v4 =	vld.idx.msk [tilespmem:v2+s19+$0x0 ss:$0x1], $0xffff;
	_ =	sdelay $0x5  }
0xc3: {  	[tilespmem:v3+s19+$0xFFFFFFD0 ss:$0x1] =	vst.idx.msk $0xffff, v4  }
0xc4: {  	v4 =	vld.idx.msk [tilespmem:v2+s19+$0x10 ss:$0x1], $0xffff;
	_ =	sdelay $0x5  }
0xc5: {  	[tilespmem:v3+s19+$0xFFFFFFE0 ss:$0x1] =	vst.idx.msk $0xffff, v4  }
0xc6: {  	v4 =	vld.idx.msk [tilespmem:v2+s19+$0x20 ss:$0x1], $0xffff;
	_ =	sdelay $0x2  }
.Ltmp2:
0xc7: {  	(pc) =	sbr.rel @p2 .LBB2_7-.Ltmp2, $3  }
0xc8: {  	_ =	sdelay $0x1  }
0xc9: {  	[tilespmem:v3+s19+$0xFFFFFFF0 ss:$0x1] =	vst.idx.msk $0xffff, v4  }
0xca: {  	v4 =	vld.idx.msk [tilespmem:v2+s19+$0x30 ss:$0x1], $0xffff  }
0xcb: {  	_ =	sdelay $0x3  }
0xcc: {  	s18 =	sshra.s32 s18, $0x2;
	[tilespmem:v3+s19+$0x0 ss:$0x1] =	vst.idx.msk $0xffff, v4  }
0xcd: {  	v4 =	vld.idx.msk [tilespmem:v2+s18+$0xFFFFFFC0 ss:$0x1], $0xffff;
	_ =	sdelay $0x4  }
0xce: {  	[tilespmem:v3+s18+$0xFFFFFF90 ss:$0x1] =	vst.idx.msk $0xffff, v4  }
0xcf: {  	v4 =	vld.idx.msk [tilespmem:v2+s18+$0xFFFFFFD0 ss:$0x1], $0xffff;
	_ =	sdelay $0x4  }
0xd0: {  	[tilespmem:v3+s18+$0xFFFFFFA0 ss:$0x1] =	vst.idx.msk $0xffff, v4  }
0xd1: {  	v4 =	vld.idx.msk [tilespmem:v2+s18+$0xFFFFFFE0 ss:$0x1], $0xffff  }
0xd2: {  	s16 =	sor.u32 $0x3, s16  }
0xd3: {  	v5 =	vmov s16  }
0xd4: {  	vm0 =	veq.s32 v5, v0  }
0xd5: {  	v1 =	vnsel vm0, $0x0, v1  }
0xd6: {  	(xrf0) =	vadd.scan.msk.s32 $0xffff, v1;
	[tilespmem:v3+s18+$0xFFFFFFB0 ss:$0x1] =	vst.idx.msk $0xffff, v4  }
0xd7: {  	v1 =	vld.idx.msk [tilespmem:v2+s18+$0xFFFFFFF0 ss:$0x1], $0xffff;
	_ =	sdelay $0x4  }
0xd8: {  	[tilespmem:v3+s18+$0xFFFFFFC0 ss:$0x1] =	vst.idx.msk $0xffff, v1;
	v1, _, _ =	vpop (xrf0)  }
0xd9: {  	v4 =	vld.idx.msk [tilespmem:v2+s18+$0x0 ss:$0x1], $0xffff;
	(v2sf) =	vpush v1, $0xF;
	_ =	sdelay $0x4  }
0xda: {  	[tilespmem:v3+s18+$0xFFFFFFD0 ss:$0x1] =	vst.idx.msk $0xffff, v4  }
0xdb: {  	v1 =	vld.idx.msk [tilespmem:v2+s18+$0x10 ss:$0x1], $0xffff;
	_ =	sdelay $0x4  }
0xdc: {  	[tilespmem:v3+s18+$0xFFFFFFE0 ss:$0x1] =	vst.idx.msk $0xffff, v1  }
0xdd: {  	v1 =	vld.idx.msk [tilespmem:v2+s18+$0x20 ss:$0x1], $0xffff;
	_ =	sdelay $0x2  }
0xde: {  	s31 =	spop (v2sf)  }
0xdf: {  	s16 =	sshll.u32 s31, $0xE  }
0xe0: {  	[tilespmem:v3+s18+$0xFFFFFFF0 ss:$0x1] =	vst.idx.msk $0xffff, v1;
	s16 =	sshra.s32 s16, $0x2  }
0xe1: {  	v1 =	vld.idx.msk [tilespmem:v2+s18+$0x30 ss:$0x1], $0xffff;
	s16 =	sor.u32 $0x440, s16  }
0xe2: {  	v2 =	vmov s16;
	_ =	sdelay $0x3  }
0xe3: {  	s16 =	simm.s32 $0x0;
	[tilespmem:v3+s18+$0x0 ss:$0x1] =	vst.idx.msk $0xffff, v1  }
0xe4: {  	v1 =	vmov s17;
	v3 =	vld.idx.msk [tilespmem:v2+s16+$0xFFFFFFC0 ss:$0x1], $0xffff;
	_ =	sdelay $0x4  }
0xe5: {  	[tilespmem:v1+s16+$0xFFFFFF90 ss:$0x1] =	vst.idx.msk $0xffff, v3  }
0xe6: {  	v3 =	vld.idx.msk [tilespmem:v2+s16+$0xFFFFFFD0 ss:$0x1], $0xffff;
	_ =	sdelay $0x4  }
0xe7: {  	[tilespmem:v1+s16+$0xFFFFFFA0 ss:$0x1] =	vst.idx.msk $0xffff, v3  }
0xe8: {  	v3 =	vld.idx.msk [tilespmem:v2+s16+$0xFFFFFFE0 ss:$0x1], $0xffff;
	_ =	sdelay $0x4  }
0xe9: {  	[tilespmem:v1+s16+$0xFFFFFFB0 ss:$0x1] =	vst.idx.msk $0xffff, v3  }
0xea: {  	v3 =	vld.idx.msk [tilespmem:v2+s16+$0xFFFFFFF0 ss:$0x1], $0xffff;
	_ =	sdelay $0x4  }
0xeb: {  	[tilespmem:v1+s16+$0xFFFFFFC0 ss:$0x1] =	vst.idx.msk $0xffff, v3  }
0xec: {  	v3 =	vld.idx.msk [tilespmem:v2+s16+$0x0 ss:$0x1], $0xffff;
	_ =	sdelay $0x4  }
0xed: {  	[tilespmem:v1+s16+$0xFFFFFFD0 ss:$0x1] =	vst.idx.msk $0xffff, v3  }
0xee: {  	v3 =	vld.idx.msk [tilespmem:v2+s16+$0x10 ss:$0x1], $0xffff;
	_ =	sdelay $0x4  }
0xef: {  	[tilespmem:v1+s16+$0xFFFFFFE0 ss:$0x1] =	vst.idx.msk $0xffff, v3  }
0xf0: {  	v3 =	vld.idx.msk [tilespmem:v2+s16+$0x20 ss:$0x1], $0xffff;
	_ =	sdelay $0x4  }
0xf1: {  	[tilespmem:v1+s16+$0xFFFFFFF0 ss:$0x1] =	vst.idx.msk $0xffff, v3  }
0xf2: {  	s17 =	simm.s32 $0x200;
	s18 =	simm.s32 $0x400;
	v3 =	vld.idx.msk [tilespmem:v2+s16+$0x30 ss:$0x1], $0xffff  }
.LBB2_9:
0xf3: {  	_ =	sdelay $0x2  }
0xf4: {  	p2 =	sne.s32 s18, $0x3E00  }
0xf5: {  	[tilespmem:v1+s16+$0x0 ss:$0x1] =	vst.idx.msk $0xffff, v3;
	s16 =	sshra.s32 s17, $0x2;
	s17 =	smov.u32 s18;
	s18 =	sadd.s32 $0x200, s18  }
0xf6: {  	v3 =	vld.idx.msk [tilespmem:v2+s16+$0xFFFFFFC0 ss:$0x1], $0xffff;
	_ =	sdelay $0x5  }
0xf7: {  	[tilespmem:v1+s16+$0xFFFFFF90 ss:$0x1] =	vst.idx.msk $0xffff, v3  }
0xf8: {  	v3 =	vld.idx.msk [tilespmem:v2+s16+$0xFFFFFFD0 ss:$0x1], $0xffff;
	_ =	sdelay $0x5  }
0xf9: {  	[tilespmem:v1+s16+$0xFFFFFFA0 ss:$0x1] =	vst.idx.msk $0xffff, v3  }
0xfa: {  	v3 =	vld.idx.msk [tilespmem:v2+s16+$0xFFFFFFE0 ss:$0x1], $0xffff;
	_ =	sdelay $0x5  }
0xfb: {  	[tilespmem:v1+s16+$0xFFFFFFB0 ss:$0x1] =	vst.idx.msk $0xffff, v3  }
0xfc: {  	v3 =	vld.idx.msk [tilespmem:v2+s16+$0xFFFFFFF0 ss:$0x1], $0xffff;
	_ =	sdelay $0x5  }
0xfd: {  	[tilespmem:v1+s16+$0xFFFFFFC0 ss:$0x1] =	vst.idx.msk $0xffff, v3  }
0xfe: {  	v3 =	vld.idx.msk [tilespmem:v2+s16+$0x0 ss:$0x1], $0xffff;
	_ =	sdelay $0x5  }
0xff: {  	[tilespmem:v1+s16+$0xFFFFFFD0 ss:$0x1] =	vst.idx.msk $0xffff, v3  }
0x100: {  	v3 =	vld.idx.msk [tilespmem:v2+s16+$0x10 ss:$0x1], $0xffff;
	_ =	sdelay $0x5  }
0x101: {  	[tilespmem:v1+s16+$0xFFFFFFE0 ss:$0x1] =	vst.idx.msk $0xffff, v3  }
0x102: {  	v3 =	vld.idx.msk [tilespmem:v2+s16+$0x20 ss:$0x1], $0xffff;
	_ =	sdelay $0x2  }
.Ltmp3:
0x103: {  	(pc) =	sbr.rel @p2 .LBB2_9-.Ltmp3, $3  }
0x104: {  	_ =	sdelay $0x1  }
0x105: {  	[tilespmem:v1+s16+$0xFFFFFFF0 ss:$0x1] =	vst.idx.msk $0xffff, v3  }
0x106: {  	v3 =	vld.idx.msk [tilespmem:v2+s16+$0x30 ss:$0x1], $0xffff  }
0x107: {  	_ =	sdelay $0x3  }
0x108: {  	s17 =	sshra.s32 s17, $0x2;
	[tilespmem:v1+s16+$0x0 ss:$0x1] =	vst.idx.msk $0xffff, v3  }
0x109: {  	v3 =	vld.idx.msk [tilespmem:v2+s17+$0xFFFFFFC0 ss:$0x1], $0xffff;
	_ =	sdelay $0x4  }
0x10a: {  	[tilespmem:v1+s17+$0xFFFFFF90 ss:$0x1] =	vst.idx.msk $0xffff, v3  }
0x10b: {  	v3 =	vld.idx.msk [tilespmem:v2+s17+$0xFFFFFFD0 ss:$0x1], $0xffff;
	_ =	sdelay $0x4  }
0x10c: {  	[tilespmem:v1+s17+$0xFFFFFFA0 ss:$0x1] =	vst.idx.msk $0xffff, v3  }
0x10d: {  	v3 =	vld.idx.msk [tilespmem:v2+s17+$0xFFFFFFE0 ss:$0x1], $0xffff;
	_ =	sdelay $0x4  }
0x10e: {  	[tilespmem:v1+s17+$0xFFFFFFB0 ss:$0x1] =	vst.idx.msk $0xffff, v3  }
0x10f: {  	v3 =	vld.idx.msk [tilespmem:v2+s17+$0xFFFFFFF0 ss:$0x1], $0xffff;
	_ =	sdelay $0x4  }
0x110: {  	[tilespmem:v1+s17+$0xFFFFFFC0 ss:$0x1] =	vst.idx.msk $0xffff, v3  }
0x111: {  	v3 =	vld.idx.msk [tilespmem:v2+s17+$0x0 ss:$0x1], $0xffff;
	_ =	sdelay $0x4  }
0x112: {  	[tilespmem:v1+s17+$0xFFFFFFD0 ss:$0x1] =	vst.idx.msk $0xffff, v3  }
0x113: {  	v3 =	vld.idx.msk [tilespmem:v2+s17+$0x10 ss:$0x1], $0xffff;
	_ =	sdelay $0x4  }
0x114: {  	[tilespmem:v1+s17+$0xFFFFFFE0 ss:$0x1] =	vst.idx.msk $0xffff, v3  }
0x115: {  	v3 =	vld.idx.msk [tilespmem:v2+s17+$0x20 ss:$0x1], $0xffff;
	_ =	sdelay $0x4  }
0x116: {  	[tilespmem:v1+s17+$0xFFFFFFF0 ss:$0x1] =	vst.idx.msk $0xffff, v3  }
0x117: {  	v2 =	vld.idx.msk [tilespmem:v2+s17+$0x30 ss:$0x1], $0xffff  }
0x118: {  	p2 =	sne.s32 s15, $0x0  }
0x119: {  	s15 =	sshll.u32 @!p2 s14, $0xE  }
0x11a: {  	s15 =	sadd.s32 @!p2 s5, s15  }
0x11b: {  	s15 =	sshrl.u32 @!p2 s15, $0x3  }
0x11c: {  	s15 =	sadd.s32 @!p2 s4, s15;
	s16 =	simm.s32 @!p2 $0x0;
	[tilespmem:v1+s17+$0x0 ss:$0x1] =	vst.idx.msk $0xffff, v2;
	s17 =	simm.s32 @!p2 $0x10400  }
0x11d: {  	[hbm4b:s15+s16] =	stream.linear.scatter @!p2 [tilespmem:s17], [sflag:$0x1], $0x4000, $0x38;
	[tilespmem:$0x18400] =	vst v63  }
0x11e: {  	s15 =	sshll.u32 @p1 s14, $0xE  }
0x11f: {  	s15 =	sadd.s32 @p1 s5, s15  }
0x120: {  	s16 =	simm.s32 @p1 $0x0;
	s15 =	sshrl.u32 @p1 s15, $0x3  }
0x121: {  	s17 =	simm.s32 @p1 $0x14400;
	s14 =	sadd.s32 $0x1, s14;
	s15 =	sadd.s32 @p1 s4, s15  }
0x122: {  	[hbm4b:s15+s16] =	stream.linear.scatter @p1 [tilespmem:s17], [sflag:$0x2], $0x4000, $0x38;
	[tilespmem:$0x18400] =	vst v63  }
0x123: {  	p1 =	sne.s32 s14, $0x100  }
.Ltmp4:
0x124: {  	_ = 	snop;
	(pc) =	sbr.rel @p1 .LBB2_2-.Ltmp4, $2  }
0x125: {  	_ =	sdelay $0x2  }
0x126: {  	p0 =	por !p0, !p0  }
0x127: {  	s13 =	sadd.s32 $0x1, s13  }
0x128: {  	_ =	swait.ge [sflag:s11], $0x4000;
	p0 =	sne.s32 s13, s7  }
.Ltmp5:
0x129: {  	[sflag:s11] =	ssyncset.done $0x0;
	(pc) =	sbr.rel @p0 .LBB2_1-.Ltmp5, $4  }
0x12a: {  	[sflag:s11] =	ssyncadd.s32 $0xFFFFC000  }
0x12b: {  	_ =	swait.ge [sflag:s12], $0x4000  }
0x12c: {  	[sflag:s12] =	ssyncset.done $0x0  }
0x12d: {  	[sflag:s12] =	ssyncadd.s32 $0xFFFFC000  }
0x12e: {  	_ =	sfence.sel $0x180000  }
0x12f: {  	[bflag:$0x0] =	sbarrier.arrive $0xFFFF  }
0x130: {  	p0 =	sne.s32 s1, $0x0;
	_ =	strace $0x90000047  }
0x131: {  	s0 =	sadd.s32 @!p0 $0x100000, s0;
	[bflag:$0x2] =	sbarrier.arrive $0xFFFF  }
0x132: {  	[sflag:s0] =	ssyncadd.tile.s32 @!p0 $0x1;
	_ =	shalt  }
.Lfunc_end2:
_tile_overlayer_lowered:
.L_overlay_start_2:
0x133: {  	(tag) =	ssettag $0x2  }
0x134: {  	s0 =	rddreg [dreg:$0x0];
	s2 =	stileid.u32  }
0x135: {  	s1 =	rddreg [dreg:$0x1];
	p0 =	sne.s32 s2, $0x0  }
0x136: {  	s3 =	rddreg [dreg:$0x2];
	[bflag:$0x3] =	sbarrier.arrive $0xFFFF;
	s2 =	simm.s32 @!p0 $0x1C03  }
0x137: {  	[timem:s3], [sflag:s2] =	dma.local @!p0 [hbm:s0], s1  }
0x138: {  	s0 =	simm.s32 @!p0 $0x3  }
0x139: {  	_ =	swait.ge @!p0 [sflag:s0], s1  }
0x13a: {  	s1 =	ssub.s32 @!p0 $0x0, s1;
	[sflag:s0] =	ssyncset.done @!p0 $0x0  }
0x13b: {  	[sflag:s0] =	ssyncadd.s32 @!p0 s1  }
0x13c: {  	[bflag:$0x3] =	sbarrier.arrive $0xFFFF  }
0x13d: {  	_ =	shalt  }

</sc_bundles>
